<compile_context>
chip_gen: v7x
topology: tpu7x:2x2x1
jax: 0.10.2.dev20260603
libtpu: 0.0.44.dev20260713+nightly
codegen_flags: <defaults>
</compile_context>

<pallas_src>
import functools

import jax
import jax.numpy as jnp
from jax import lax
from jax.experimental import pallas as pl
from jax.experimental.pallas import tpu as pltpu
from jax.experimental.pallas import tpu_sc as plsc

_NC = 2
_NS = 16
_NW = _NC * _NS

_B = 1024 * 200
_D = 128
_BPW = _B // _NW
_CHUNK = 128
_NCHUNK = _BPW // _CHUNK
_NBUF = 3


def _build_gather():
    mesh = plsc.VectorSubcoreMesh(core_axis_name="c", subcore_axis_name="s")

    @functools.partial(
        pl.kernel,
        mesh=mesh,
        out_type=jax.ShapeDtypeStruct((_NW, _NCHUNK, _CHUNK, _D), jnp.float32),
        scratch_types=[
            pltpu.VMEM((_NCHUNK, _CHUNK), jnp.int32),
            pltpu.VMEM((_NBUF, _CHUNK, _D), jnp.float32),
            pltpu.VMEM_SHARED((_NS, _NBUF, _CHUNK, _D), jnp.float32),
        ] + [pltpu.SemaphoreType.DMA] * (3 * _NBUF),
    )
    def gather_kernel(idx_hbm, table_hbm, out_hbm, idx_v, rows_v, rows_sh,
                      *sems):
        sem_g = sems[:_NBUF]
        sem_c = sems[_NBUF:2 * _NBUF]
        sem_s = sems[2 * _NBUF:]
        sid = lax.axis_index("s")
        wid = sid * _NC + lax.axis_index("c")
        pltpu.sync_copy(idx_hbm.at[wid], idx_v)

        def start_g(i, b):
            pltpu.make_async_copy(
                table_hbm.at[idx_v.at[i]], rows_v.at[b], sem_g[b]).start()

        def wait_g(i, b):
            pltpu.make_async_copy(
                table_hbm.at[idx_v.at[i]], rows_v.at[b], sem_g[b]).wait()

        def start_c(b):
            pltpu.make_async_copy(
                rows_v.at[b], rows_sh.at[sid, b], sem_c[b]).start()

        def wait_c(b):
            pltpu.make_async_copy(
                rows_v.at[b], rows_sh.at[sid, b], sem_c[b]).wait()

        def start_s(i, b):
            pltpu.make_async_copy(
                rows_sh.at[sid, b], out_hbm.at[wid, i], sem_s[b]).start()

        def wait_s(i, b):
            pltpu.make_async_copy(
                rows_sh.at[sid, b], out_hbm.at[wid, i], sem_s[b]).wait()

        def step(i, b, wait_sl, do_c2, start_gather):
            wait_g(i, b)
            if wait_sl:
                wait_s(i, b)
            start_c(b)
            if do_c2:
                bj = (b - 1) % _NBUF
                wait_c(bj)
                start_s(i - 1, bj)
            if start_gather:
                start_g(i + 2, (b + 2) % _NBUF)

        start_g(0, 0)
        start_g(1, 1)
        for i in range(_NBUF):
            step(i, i, wait_sl=False, do_c2=(i >= 1), start_gather=True)

        n_groups = (_NCHUNK - 2 - _NBUF) // _NBUF

        def group(g, carry):
            i0 = g * _NBUF
            for b in range(_NBUF):
                step(i0 + b, b, wait_sl=True, do_c2=True, start_gather=True)
            return carry

        lax.fori_loop(1, 1 + n_groups, group, 0)

        for i in range(_NBUF * (1 + n_groups), _NCHUNK):
            step(i, i % _NBUF, wait_sl=True, do_c2=True,
                 start_gather=(i + 2 < _NCHUNK))
        last = _NCHUNK - 1
        wait_c(last % _NBUF)
        start_s(last, last % _NBUF)
        for i in range(_NCHUNK - _NBUF, _NCHUNK):
            wait_s(i, i % _NBUF)

    return gather_kernel


_GATHER = _build_gather()


def kernel(x, table):
    xf = x.reshape(_NW, _NCHUNK, _CHUNK).astype(jnp.int32)
    out = _GATHER(xf, table)
    return out.reshape(x.shape[0], x.shape[1], _D)

# --- scband reference (transcript-rebuilt; emitter-appended) ---
"""Pipeline reference for scband-embedding-17394617549333 (READ-ONLY COPY).

The authoritative reference and input builder live on the scoring server;
editing this copy changes nothing except your own understanding.
"""

import jax, jax.numpy as jnp
import numpy as np

NUM_VOCAB = 100000
EMBED_DIM = 128
DROPOUT = 0.0  # p=0.0 -> dropout is identity


def setup_inputs(seed: int = 0) -> dict:
    key = jax.random.key(seed)
    k_idx, k_tab = jax.random.split(key)
    x = jax.random.randint(k_idx, (1024, 200), 0, NUM_VOCAB, dtype=jnp.int64 if jax.config.read('jax_enable_x64') else jnp.int32)
    table = jax.random.normal(k_tab, (NUM_VOCAB, EMBED_DIM), dtype=jnp.float32)
    # nn.Embedding(padding_idx=0) zeros the padding row at init
    table = table.at[0].set(0.0)
    return {"x": x, "table": table}


def reference(x, table):
    # Faithful translation of forward: embedding lookup (gather rows) then
    # f.dropout with p=0.0, which is the identity.
    out = jnp.take(table, x, axis=0)
    return out

if __name__ == "__main__":
    import jax
    _d = setup_inputs()
    print(jax.jit(kernel)(*tuple(_d.values())))

</pallas_src>

<mosaic_0001>
#map = affine_map<(d0, d1) -> (0, 0, 0)>
#map1 = affine_map<(d0, d1) -> (0, 0)>
#map2 = affine_map<(d0, d1) -> (0, 0, 0, 0)>
module attributes {stable_mosaic.version = 14 : i64} {
  func.func @gather_kernel(%arg0: i32, %arg1: i32, %arg2: memref<32x50x128xi32, #tpu.memory_space<hbm>>, %arg3: memref<100000x128xf32, #tpu.memory_space<hbm>>, %arg4: memref<32x50x128x128xf32, #tpu.memory_space<hbm>>, %arg5: memref<50x128xi32, #tpu.memory_space<vmem>>, %arg6: memref<3x128x128xf32, #tpu.memory_space<vmem>>, %arg7: memref<16x3x128x128xf32, #tpu.memory_space<vmem_shared>>, %arg8: memref<!tpu.dma_semaphore, #tpu.memory_space<semaphore_mem>>, %arg9: memref<!tpu.dma_semaphore, #tpu.memory_space<semaphore_mem>>, %arg10: memref<!tpu.dma_semaphore, #tpu.memory_space<semaphore_mem>>, %arg11: memref<!tpu.dma_semaphore, #tpu.memory_space<semaphore_mem>>, %arg12: memref<!tpu.dma_semaphore, #tpu.memory_space<semaphore_mem>>, %arg13: memref<!tpu.dma_semaphore, #tpu.memory_space<semaphore_mem>>, %arg14: memref<!tpu.dma_semaphore, #tpu.memory_space<semaphore_mem>>, %arg15: memref<!tpu.dma_semaphore, #tpu.memory_space<semaphore_mem>>, %arg16: memref<!tpu.dma_semaphore, #tpu.memory_space<semaphore_mem>>) attributes {dimension_semantics = [#tpu.dimension_semantics<core_parallel>, #tpu.dimension_semantics<subcore_parallel>], iteration_bounds = array<i64: 2, 16>, scalar_prefetch = 0 : i64, scratch_operands = 12 : i64, tpu.core_type = #tpu.core_type<sc_vector_subcore>, window_params = [{transform_indices = #map}, {transform_indices = #map1}, {transform_indices = #map2}]} {
    %mul3A = arith.constant 2 : i32
    %mul3A_0 = arith.muli %arg1, %mul3A : i32
    %add3A = arith.addi %mul3A_0, %arg0 : i32
    "tpu.region"() ({
      %run_scoped3A = tpu.sem_alloc : memref<!tpu.dma_semaphore, #tpu.memory_space<semaphore_mem>>
      %dma_start3A_404 = arith.constant 0 : i32
      %dma_start3A_405 = arith.constant 0 : i32
      %dma_start3A_406 = tpu.memref_slice %arg2[%add3A, %dma_start3A_404, %dma_start3A_405] : memref<32x50x128xi32, #tpu.memory_space<hbm>> -> memref<1x50x128xi32, #tpu.memory_space<hbm>>
      %dma_start3A_407 = tpu.memref_squeeze %dma_start3A_406 : memref<1x50x128xi32, #tpu.memory_space<hbm>> -> memref<50x128xi32, #tpu.memory_space<hbm>>
      %dma_start3A_408 = arith.constant 0 : i32
      %dma_start3A_409 = arith.constant 0 : i32
      %dma_start3A_410 = tpu.memref_slice %arg2[%add3A, %dma_start3A_408, %dma_start3A_409] : memref<32x50x128xi32, #tpu.memory_space<hbm>> -> memref<1x50x128xi32, #tpu.memory_space<hbm>>
      %dma_start3A_411 = tpu.memref_squeeze %dma_start3A_410 : memref<1x50x128xi32, #tpu.memory_space<hbm>> -> memref<50x128xi32, #tpu.memory_space<hbm>>
      tpu.enqueue_dma source(%dma_start3A_411 : memref<50x128xi32, #tpu.memory_space<hbm>>) target(%arg5 : memref<50x128xi32, #tpu.memory_space<vmem>>) target_semaphore(%run_scoped3A : memref<!tpu.dma_semaphore, #tpu.memory_space<semaphore_mem>>)
      %dma_wait3A_412 = arith.constant 0 : i32
      %dma_wait3A_413 = arith.constant 0 : i32
      %dma_wait3A_414 = tpu.memref_slice %arg2[%add3A, %dma_wait3A_412, %dma_wait3A_413] : memref<32x50x128xi32, #tpu.memory_space<hbm>> -> memref<1x50x128xi32, #tpu.memory_space<hbm>>
      %dma_wait3A_415 = tpu.memref_squeeze %dma_wait3A_414 : memref<1x50x128xi32, #tpu.memory_space<hbm>> -> memref<50x128xi32, #tpu.memory_space<hbm>>
      %dma_wait3A_416 = arith.constant 0 : i32
      %dma_wait3A_417 = arith.constant 0 : i32
      %dma_wait3A_418 = tpu.memref_slice %arg2[%add3A, %dma_wait3A_416, %dma_wait3A_417] : memref<32x50x128xi32, #tpu.memory_space<hbm>> -> memref<1x50x128xi32, #tpu.memory_space<hbm>>
      %dma_wait3A_419 = tpu.memref_squeeze %dma_wait3A_418 : memref<1x50x128xi32, #tpu.memory_space<hbm>> -> memref<50x128xi32, #tpu.memory_space<hbm>>
      tpu.wait_dma2 semaphore(%run_scoped3A : memref<!tpu.dma_semaphore, #tpu.memory_space<semaphore_mem>>) src(%dma_wait3A_419 : memref<50x128xi32, #tpu.memory_space<hbm>>) dst(%arg5 : memref<50x128xi32, #tpu.memory_space<vmem>>)
      tpu.yield
    }) : () -> ()
    %dma_start3A = arith.constant 0 : i32
    %dma_start3A_1 = arith.constant 0 : i32
    %dma_start3A_2 = arith.constant 0 : i32
    %dma_start3A_3 = arith.constant 0 : i32
    %dma_start3A_4 = tpu.memref_slice %arg6[%dma_start3A_1, %dma_start3A_2, %dma_start3A_3] : memref<3x128x128xf32, #tpu.memory_space<vmem>> -> memref<1x128x128xf32, #tpu.memory_space<vmem>>
    %dma_start3A_5 = tpu.memref_squeeze %dma_start3A_4 : memref<1x128x128xf32, #tpu.memory_space<vmem>> -> memref<128x128xf32, #tpu.memory_space<vmem>>
    %dma_start3A_6 = arith.constant 0 : i32
    %dma_start3A_7 = tpu.memref_slice %arg5[%dma_start3A, %dma_start3A_6] : memref<50x128xi32, #tpu.memory_space<vmem>> -> memref<1x128xi32, #tpu.memory_space<vmem>>
    %dma_start3A_8 = tpu.memref_squeeze %dma_start3A_7 : memref<1x128xi32, #tpu.memory_space<vmem>> -> memref<128xi32, #tpu.memory_space<vmem>>
    %dma_start3A_9 = arith.constant 0 : i32
    %dma_start3A_10 = arith.constant 0 : i32
    %dma_start3A_11 = tpu.memref_slice %arg3[%dma_start3A_9, %dma_start3A_10] : memref<100000x128xf32, #tpu.memory_space<hbm>> -> memref<100000x128xf32, #tpu.memory_space<hbm>>
    tpu.enqueue_indirect_dma source(%dma_start3A_11 : memref<100000x128xf32, #tpu.memory_space<hbm>>) target(%dma_start3A_5 : memref<128x128xf32, #tpu.memory_space<vmem>>) offsets(%dma_start3A_8 : memref<128xi32, #tpu.memory_space<vmem>>) semaphore(%arg8 : memref<!tpu.dma_semaphore, #tpu.memory_space<semaphore_mem>>)
    %dma_start3A_12 = arith.constant 1 : i32
    %dma_start3A_13 = arith.constant 1 : i32
    %dma_start3A_14 = arith.constant 0 : i32
    %dma_start3A_15 = arith.constant 0 : i32
    %dma_start3A_16 = tpu.memref_slice %arg6[%dma_start3A_13, %dma_start3A_14, %dma_start3A_15] : memref<3x128x128xf32, #tpu.memory_space<vmem>> -> memref<1x128x128xf32, #tpu.memory_space<vmem>>
    %dma_start3A_17 = tpu.memref_squeeze %dma_start3A_16 : memref<1x128x128xf32, #tpu.memory_space<vmem>> -> memref<128x128xf32, #tpu.memory_space<vmem>>
    %dma_start3A_18 = arith.constant 0 : i32
    %dma_start3A_19 = tpu.memref_slice %arg5[%dma_start3A_12, %dma_start3A_18] : memref<50x128xi32, #tpu.memory_space<vmem>> -> memref<1x128xi32, #tpu.memory_space<vmem>>
    %dma_start3A_20 = tpu.memref_squeeze %dma_start3A_19 : memref<1x128xi32, #tpu.memory_space<vmem>> -> memref<128xi32, #tpu.memory_space<vmem>>
    %dma_start3A_21 = arith.constant 0 : i32
    %dma_start3A_22 = arith.constant 0 : i32
    %dma_start3A_23 = tpu.memref_slice %arg3[%dma_start3A_21, %dma_start3A_22] : memref<100000x128xf32, #tpu.memory_space<hbm>> -> memref<100000x128xf32, #tpu.memory_space<hbm>>
    tpu.enqueue_indirect_dma source(%dma_start3A_23 : memref<100000x128xf32, #tpu.memory_space<hbm>>) target(%dma_start3A_17 : memref<128x128xf32, #tpu.memory_space<vmem>>) offsets(%dma_start3A_20 : memref<128xi32, #tpu.memory_space<vmem>>) semaphore(%arg9 : memref<!tpu.dma_semaphore, #tpu.memory_space<semaphore_mem>>)
    %dma_wait3A = arith.constant 0 : i32
    %dma_wait3A_24 = arith.constant 0 : i32
    %dma_wait3A_25 = arith.constant 0 : i32
    %dma_wait3A_26 = arith.constant 0 : i32
    %dma_wait3A_27 = tpu.memref_slice %arg6[%dma_wait3A_24, %dma_wait3A_25, %dma_wait3A_26] : memref<3x128x128xf32, #tpu.memory_space<vmem>> -> memref<1x128x128xf32, #tpu.memory_space<vmem>>
    %dma_wait3A_28 = tpu.memref_squeeze %dma_wait3A_27 : memref<1x128x128xf32, #tpu.memory_space<vmem>> -> memref<128x128xf32, #tpu.memory_space<vmem>>
    %dma_wait3A_29 = arith.constant 0 : i32
    %dma_wait3A_30 = tpu.memref_slice %arg5[%dma_wait3A, %dma_wait3A_29] : memref<50x128xi32, #tpu.memory_space<vmem>> -> memref<1x128xi32, #tpu.memory_space<vmem>>
    %dma_wait3A_31 = tpu.memref_squeeze %dma_wait3A_30 : memref<1x128xi32, #tpu.memory_space<vmem>> -> memref<128xi32, #tpu.memory_space<vmem>>
    %dma_wait3A_32 = arith.constant 0 : i32
    %dma_wait3A_33 = arith.constant 0 : i32
    %dma_wait3A_34 = tpu.memref_slice %arg3[%dma_wait3A_32, %dma_wait3A_33] : memref<100000x128xf32, #tpu.memory_space<hbm>> -> memref<100000x128xf32, #tpu.memory_space<hbm>>
    tpu.wait_indirect_dma semaphore(%arg8 : memref<!tpu.dma_semaphore, #tpu.memory_space<semaphore_mem>>) src(%dma_wait3A_34 : memref<100000x128xf32, #tpu.memory_space<hbm>>) dst(%dma_wait3A_28 : memref<128x128xf32, #tpu.memory_space<vmem>>)
    %dma_start3A_35 = arith.constant 0 : i32
    %dma_start3A_36 = arith.constant 0 : i32
    %dma_start3A_37 = arith.constant 0 : i32
    %dma_start3A_38 = arith.constant 0 : i32
    %dma_start3A_39 = tpu.memref_slice %arg6[%dma_start3A_35, %dma_start3A_37, %dma_start3A_38] : memref<3x128x128xf32, #tpu.memory_space<vmem>> -> memref<1x128x128xf32, #tpu.memory_space<vmem>>
    %dma_start3A_40 = tpu.memref_squeeze %dma_start3A_39 : memref<1x128x128xf32, #tpu.memory_space<vmem>> -> memref<128x128xf32, #tpu.memory_space<vmem>>
    %dma_start3A_41 = arith.constant 0 : i32
    %dma_start3A_42 = arith.constant 0 : i32
    %dma_start3A_43 = tpu.memref_slice %arg7[%arg1, %dma_start3A_36, %dma_start3A_41, %dma_start3A_42] : memref<16x3x128x128xf32, #tpu.memory_space<vmem_shared>> -> memref<1x1x128x128xf32, #tpu.memory_space<vmem_shared>>
    %dma_start3A_44 = tpu.memref_squeeze %dma_start3A_43 : memref<1x1x128x128xf32, #tpu.memory_space<vmem_shared>> -> memref<128x128xf32, #tpu.memory_space<vmem_shared>>
    %dma_start3A_45 = arith.constant 0 : i32
    %dma_start3A_46 = arith.constant 0 : i32
    %dma_start3A_47 = tpu.memref_slice %arg7[%arg1, %dma_start3A_36, %dma_start3A_45, %dma_start3A_46] : memref<16x3x128x128xf32, #tpu.memory_space<vmem_shared>> -> memref<1x1x128x128xf32, #tpu.memory_space<vmem_shared>>
    %dma_start3A_48 = tpu.memref_squeeze %dma_start3A_47 : memref<1x1x128x128xf32, #tpu.memory_space<vmem_shared>> -> memref<128x128xf32, #tpu.memory_space<vmem_shared>>
    %dma_start3A_49 = arith.constant 0 : i32
    %dma_start3A_50 = arith.constant 0 : i32
    %dma_start3A_51 = tpu.memref_slice %arg6[%dma_start3A_35, %dma_start3A_49, %dma_start3A_50] : memref<3x128x128xf32, #tpu.memory_space<vmem>> -> memref<1x128x128xf32, #tpu.memory_space<vmem>>
    %dma_start3A_52 = tpu.memref_squeeze %dma_start3A_51 : memref<1x128x128xf32, #tpu.memory_space<vmem>> -> memref<128x128xf32, #tpu.memory_space<vmem>>
    tpu.enqueue_dma source(%dma_start3A_52 : memref<128x128xf32, #tpu.memory_space<vmem>>) target(%dma_start3A_48 : memref<128x128xf32, #tpu.memory_space<vmem_shared>>) target_semaphore(%arg11 : memref<!tpu.dma_semaphore, #tpu.memory_space<semaphore_mem>>)
    %dma_start3A_53 = arith.constant 2 : i32
    %dma_start3A_54 = arith.constant 2 : i32
    %dma_start3A_55 = arith.constant 0 : i32
    %dma_start3A_56 = arith.constant 0 : i32
    %dma_start3A_57 = tpu.memref_slice %arg6[%dma_start3A_54, %dma_start3A_55, %dma_start3A_56] : memref<3x128x128xf32, #tpu.memory_space<vmem>> -> memref<1x128x128xf32, #tpu.memory_space<vmem>>
    %dma_start3A_58 = tpu.memref_squeeze %dma_start3A_57 : memref<1x128x128xf32, #tpu.memory_space<vmem>> -> memref<128x128xf32, #tpu.memory_space<vmem>>
    %dma_start3A_59 = arith.constant 0 : i32
    %dma_start3A_60 = tpu.memref_slice %arg5[%dma_start3A_53, %dma_start3A_59] : memref<50x128xi32, #tpu.memory_space<vmem>> -> memref<1x128xi32, #tpu.memory_space<vmem>>
    %dma_start3A_61 = tpu.memref_squeeze %dma_start3A_60 : memref<1x128xi32, #tpu.memory_space<vmem>> -> memref<128xi32, #tpu.memory_space<vmem>>
    %dma_start3A_62 = arith.constant 0 : i32
    %dma_start3A_63 = arith.constant 0 : i32
    %dma_start3A_64 = tpu.memref_slice %arg3[%dma_start3A_62, %dma_start3A_63] : memref<100000x128xf32, #tpu.memory_space<hbm>> -> memref<100000x128xf32, #tpu.memory_space<hbm>>
    tpu.enqueue_indirect_dma source(%dma_start3A_64 : memref<100000x128xf32, #tpu.memory_space<hbm>>) target(%dma_start3A_58 : memref<128x128xf32, #tpu.memory_space<vmem>>) offsets(%dma_start3A_61 : memref<128xi32, #tpu.memory_space<vmem>>) semaphore(%arg10 : memref<!tpu.dma_semaphore, #tpu.memory_space<semaphore_mem>>)
    %dma_wait3A_65 = arith.constant 1 : i32
    %dma_wait3A_66 = arith.constant 1 : i32
    %dma_wait3A_67 = arith.constant 0 : i32
    %dma_wait3A_68 = arith.constant 0 : i32
    %dma_wait3A_69 = tpu.memref_slice %arg6[%dma_wait3A_66, %dma_wait3A_67, %dma_wait3A_68] : memref<3x128x128xf32, #tpu.memory_space<vmem>> -> memref<1x128x128xf32, #tpu.memory_space<vmem>>
    %dma_wait3A_70 = tpu.memref_squeeze %dma_wait3A_69 : memref<1x128x128xf32, #tpu.memory_space<vmem>> -> memref<128x128xf32, #tpu.memory_space<vmem>>
    %dma_wait3A_71 = arith.constant 0 : i32
    %dma_wait3A_72 = tpu.memref_slice %arg5[%dma_wait3A_65, %dma_wait3A_71] : memref<50x128xi32, #tpu.memory_space<vmem>> -> memref<1x128xi32, #tpu.memory_space<vmem>>
    %dma_wait3A_73 = tpu.memref_squeeze %dma_wait3A_72 : memref<1x128xi32, #tpu.memory_space<vmem>> -> memref<128xi32, #tpu.memory_space<vmem>>
    %dma_wait3A_74 = arith.constant 0 : i32
    %dma_wait3A_75 = arith.constant 0 : i32
    %dma_wait3A_76 = tpu.memref_slice %arg3[%dma_wait3A_74, %dma_wait3A_75] : memref<100000x128xf32, #tpu.memory_space<hbm>> -> memref<100000x128xf32, #tpu.memory_space<hbm>>
    tpu.wait_indirect_dma semaphore(%arg9 : memref<!tpu.dma_semaphore, #tpu.memory_space<semaphore_mem>>) src(%dma_wait3A_76 : memref<100000x128xf32, #tpu.memory_space<hbm>>) dst(%dma_wait3A_70 : memref<128x128xf32, #tpu.memory_space<vmem>>)
    %dma_start3A_77 = arith.constant 1 : i32
    %dma_start3A_78 = arith.constant 1 : i32
    %dma_start3A_79 = arith.constant 0 : i32
    %dma_start3A_80 = arith.constant 0 : i32
    %dma_start3A_81 = tpu.memref_slice %arg6[%dma_start3A_77, %dma_start3A_79, %dma_start3A_80] : memref<3x128x128xf32, #tpu.memory_space<vmem>> -> memref<1x128x128xf32, #tpu.memory_space<vmem>>
    %dma_start3A_82 = tpu.memref_squeeze %dma_start3A_81 : memref<1x128x128xf32, #tpu.memory_space<vmem>> -> memref<128x128xf32, #tpu.memory_space<vmem>>
    %dma_start3A_83 = arith.constant 0 : i32
    %dma_start3A_84 = arith.constant 0 : i32
    %dma_start3A_85 = tpu.memref_slice %arg7[%arg1, %dma_start3A_78, %dma_start3A_83, %dma_start3A_84] : memref<16x3x128x128xf32, #tpu.memory_space<vmem_shared>> -> memref<1x1x128x128xf32, #tpu.memory_space<vmem_shared>>
    %dma_start3A_86 = tpu.memref_squeeze %dma_start3A_85 : memref<1x1x128x128xf32, #tpu.memory_space<vmem_shared>> -> memref<128x128xf32, #tpu.memory_space<vmem_shared>>
    %dma_start3A_87 = arith.constant 0 : i32
    %dma_start3A_88 = arith.constant 0 : i32
    %dma_start3A_89 = tpu.memref_slice %arg7[%arg1, %dma_start3A_78, %dma_start3A_87, %dma_start3A_88] : memref<16x3x128x128xf32, #tpu.memory_space<vmem_shared>> -> memref<1x1x128x128xf32, #tpu.memory_space<vmem_shared>>
    %dma_start3A_90 = tpu.memref_squeeze %dma_start3A_89 : memref<1x1x128x128xf32, #tpu.memory_space<vmem_shared>> -> memref<128x128xf32, #tpu.memory_space<vmem_shared>>
    %dma_start3A_91 = arith.constant 0 : i32
    %dma_start3A_92 = arith.constant 0 : i32
    %dma_start3A_93 = tpu.memref_slice %arg6[%dma_start3A_77, %dma_start3A_91, %dma_start3A_92] : memref<3x128x128xf32, #tpu.memory_space<vmem>> -> memref<1x128x128xf32, #tpu.memory_space<vmem>>
    %dma_start3A_94 = tpu.memref_squeeze %dma_start3A_93 : memref<1x128x128xf32, #tpu.memory_space<vmem>> -> memref<128x128xf32, #tpu.memory_space<vmem>>
    tpu.enqueue_dma source(%dma_start3A_94 : memref<128x128xf32, #tpu.memory_space<vmem>>) target(%dma_start3A_90 : memref<128x128xf32, #tpu.memory_space<vmem_shared>>) target_semaphore(%arg12 : memref<!tpu.dma_semaphore, #tpu.memory_space<semaphore_mem>>)
    %dma_wait3A_95 = arith.constant 0 : i32
    %dma_wait3A_96 = arith.constant 0 : i32
    %dma_wait3A_97 = arith.constant 0 : i32
    %dma_wait3A_98 = arith.constant 0 : i32
    %dma_wait3A_99 = tpu.memref_slice %arg6[%dma_wait3A_95, %dma_wait3A_97, %dma_wait3A_98] : memref<3x128x128xf32, #tpu.memory_space<vmem>> -> memref<1x128x128xf32, #tpu.memory_space<vmem>>
    %dma_wait3A_100 = tpu.memref_squeeze %dma_wait3A_99 : memref<1x128x128xf32, #tpu.memory_space<vmem>> -> memref<128x128xf32, #tpu.memory_space<vmem>>
    %dma_wait3A_101 = arith.constant 0 : i32
    %dma_wait3A_102 = arith.constant 0 : i32
    %dma_wait3A_103 = tpu.memref_slice %arg7[%arg1, %dma_wait3A_96, %dma_wait3A_101, %dma_wait3A_102] : memref<16x3x128x128xf32, #tpu.memory_space<vmem_shared>> -> memref<1x1x128x128xf32, #tpu.memory_space<vmem_shared>>
    %dma_wait3A_104 = tpu.memref_squeeze %dma_wait3A_103 : memref<1x1x128x128xf32, #tpu.memory_space<vmem_shared>> -> memref<128x128xf32, #tpu.memory_space<vmem_shared>>
    %dma_wait3A_105 = arith.constant 0 : i32
    %dma_wait3A_106 = arith.constant 0 : i32
    %dma_wait3A_107 = tpu.memref_slice %arg7[%arg1, %dma_wait3A_96, %dma_wait3A_105, %dma_wait3A_106] : memref<16x3x128x128xf32, #tpu.memory_space<vmem_shared>> -> memref<1x1x128x128xf32, #tpu.memory_space<vmem_shared>>
    %dma_wait3A_108 = tpu.memref_squeeze %dma_wait3A_107 : memref<1x1x128x128xf32, #tpu.memory_space<vmem_shared>> -> memref<128x128xf32, #tpu.memory_space<vmem_shared>>
    %dma_wait3A_109 = arith.constant 0 : i32
    %dma_wait3A_110 = arith.constant 0 : i32
    %dma_wait3A_111 = tpu.memref_slice %arg6[%dma_wait3A_95, %dma_wait3A_109, %dma_wait3A_110] : memref<3x128x128xf32, #tpu.memory_space<vmem>> -> memref<1x128x128xf32, #tpu.memory_space<vmem>>
    %dma_wait3A_112 = tpu.memref_squeeze %dma_wait3A_111 : memref<1x128x128xf32, #tpu.memory_space<vmem>> -> memref<128x128xf32, #tpu.memory_space<vmem>>
    tpu.wait_dma2 semaphore(%arg11 : memref<!tpu.dma_semaphore, #tpu.memory_space<semaphore_mem>>) src(%dma_wait3A_112 : memref<128x128xf32, #tpu.memory_space<vmem>>) dst(%dma_wait3A_108 : memref<128x128xf32, #tpu.memory_space<vmem_shared>>)
    %dma_start3A_113 = arith.constant 0 : i32
    %dma_start3A_114 = arith.constant 0 : i32
    %dma_start3A_115 = arith.constant 0 : i32
    %dma_start3A_116 = arith.constant 0 : i32
    %dma_start3A_117 = tpu.memref_slice %arg4[%add3A, %dma_start3A_114, %dma_start3A_115, %dma_start3A_116] : memref<32x50x128x128xf32, #tpu.memory_space<hbm>> -> memref<1x1x128x128xf32, #tpu.memory_space<hbm>>
    %dma_start3A_118 = tpu.memref_squeeze %dma_start3A_117 : memref<1x1x128x128xf32, #tpu.memory_space<hbm>> -> memref<128x128xf32, #tpu.memory_space<hbm>>
    %dma_start3A_119 = arith.constant 0 : i32
    %dma_start3A_120 = arith.constant 0 : i32
    %dma_start3A_121 = tpu.memref_slice %arg7[%arg1, %dma_start3A_113, %dma_start3A_119, %dma_start3A_120] : memref<16x3x128x128xf32, #tpu.memory_space<vmem_shared>> -> memref<1x1x128x128xf32, #tpu.memory_space<vmem_shared>>
    %dma_start3A_122 = tpu.memref_squeeze %dma_start3A_121 : memref<1x1x128x128xf32, #tpu.memory_space<vmem_shared>> -> memref<128x128xf32, #tpu.memory_space<vmem_shared>>
    tpu.enqueue_dma source(%dma_start3A_122 : memref<128x128xf32, #tpu.memory_space<vmem_shared>>) target(%dma_start3A_118 : memref<128x128xf32, #tpu.memory_space<hbm>>) target_semaphore(%arg14 : memref<!tpu.dma_semaphore, #tpu.memory_space<semaphore_mem>>)
    %dma_start3A_123 = arith.constant 3 : i32
    %dma_start3A_124 = arith.constant 0 : i32
    %dma_start3A_125 = arith.constant 0 : i32
    %dma_start3A_126 = arith.constant 0 : i32
    %dma_start3A_127 = tpu.memref_slice %arg6[%dma_start3A_124, %dma_start3A_125, %dma_start3A_126] : memref<3x128x128xf32, #tpu.memory_space<vmem>> -> memref<1x128x128xf32, #tpu.memory_space<vmem>>
    %dma_start3A_128 = tpu.memref_squeeze %dma_start3A_127 : memref<1x128x128xf32, #tpu.memory_space<vmem>> -> memref<128x128xf32, #tpu.memory_space<vmem>>
    %dma_start3A_129 = arith.constant 0 : i32
    %dma_start3A_130 = tpu.memref_slice %arg5[%dma_start3A_123, %dma_start3A_129] : memref<50x128xi32, #tpu.memory_space<vmem>> -> memref<1x128xi32, #tpu.memory_space<vmem>>
    %dma_start3A_131 = tpu.memref_squeeze %dma_start3A_130 : memref<1x128xi32, #tpu.memory_space<vmem>> -> memref<128xi32, #tpu.memory_space<vmem>>
    %dma_start3A_132 = arith.constant 0 : i32
    %dma_start3A_133 = arith.constant 0 : i32
    %dma_start3A_134 = tpu.memref_slice %arg3[%dma_start3A_132, %dma_start3A_133] : memref<100000x128xf32, #tpu.memory_space<hbm>> -> memref<100000x128xf32, #tpu.memory_space<hbm>>
    tpu.enqueue_indirect_dma source(%dma_start3A_134 : memref<100000x128xf32, #tpu.memory_space<hbm>>) target(%dma_start3A_128 : memref<128x128xf32, #tpu.memory_space<vmem>>) offsets(%dma_start3A_131 : memref<128xi32, #tpu.memory_space<vmem>>) semaphore(%arg8 : memref<!tpu.dma_semaphore, #tpu.memory_space<semaphore_mem>>)
    %dma_wait3A_135 = arith.constant 2 : i32
    %dma_wait3A_136 = arith.constant 2 : i32
    %dma_wait3A_137 = arith.constant 0 : i32
    %dma_wait3A_138 = arith.constant 0 : i32
    %dma_wait3A_139 = tpu.memref_slice %arg6[%dma_wait3A_136, %dma_wait3A_137, %dma_wait3A_138] : memref<3x128x128xf32, #tpu.memory_space<vmem>> -> memref<1x128x128xf32, #tpu.memory_space<vmem>>
    %dma_wait3A_140 = tpu.memref_squeeze %dma_wait3A_139 : memref<1x128x128xf32, #tpu.memory_space<vmem>> -> memref<128x128xf32, #tpu.memory_space<vmem>>
    %dma_wait3A_141 = arith.constant 0 : i32
    %dma_wait3A_142 = tpu.memref_slice %arg5[%dma_wait3A_135, %dma_wait3A_141] : memref<50x128xi32, #tpu.memory_space<vmem>> -> memref<1x128xi32, #tpu.memory_space<vmem>>
    %dma_wait3A_143 = tpu.memref_squeeze %dma_wait3A_142 : memref<1x128xi32, #tpu.memory_space<vmem>> -> memref<128xi32, #tpu.memory_space<vmem>>
    %dma_wait3A_144 = arith.constant 0 : i32
    %dma_wait3A_145 = arith.constant 0 : i32
    %dma_wait3A_146 = tpu.memref_slice %arg3[%dma_wait3A_144, %dma_wait3A_145] : memref<100000x128xf32, #tpu.memory_space<hbm>> -> memref<100000x128xf32, #tpu.memory_space<hbm>>
    tpu.wait_indirect_dma semaphore(%arg10 : memref<!tpu.dma_semaphore, #tpu.memory_space<semaphore_mem>>) src(%dma_wait3A_146 : memref<100000x128xf32, #tpu.memory_space<hbm>>) dst(%dma_wait3A_140 : memref<128x128xf32, #tpu.memory_space<vmem>>)
    %dma_start3A_147 = arith.constant 2 : i32
    %dma_start3A_148 = arith.constant 2 : i32
    %dma_start3A_149 = arith.constant 0 : i32
    %dma_start3A_150 = arith.constant 0 : i32
    %dma_start3A_151 = tpu.memref_slice %arg6[%dma_start3A_147, %dma_start3A_149, %dma_start3A_150] : memref<3x128x128xf32, #tpu.memory_space<vmem>> -> memref<1x128x128xf32, #tpu.memory_space<vmem>>
    %dma_start3A_152 = tpu.memref_squeeze %dma_start3A_151 : memref<1x128x128xf32, #tpu.memory_space<vmem>> -> memref<128x128xf32, #tpu.memory_space<vmem>>
    %dma_start3A_153 = arith.constant 0 : i32
    %dma_start3A_154 = arith.constant 0 : i32
    %dma_start3A_155 = tpu.memref_slice %arg7[%arg1, %dma_start3A_148, %dma_start3A_153, %dma_start3A_154] : memref<16x3x128x128xf32, #tpu.memory_space<vmem_shared>> -> memref<1x1x128x128xf32, #tpu.memory_space<vmem_shared>>
    %dma_start3A_156 = tpu.memref_squeeze %dma_start3A_155 : memref<1x1x128x128xf32, #tpu.memory_space<vmem_shared>> -> memref<128x128xf32, #tpu.memory_space<vmem_shared>>
    %dma_start3A_157 = arith.constant 0 : i32
    %dma_start3A_158 = arith.constant 0 : i32
    %dma_start3A_159 = tpu.memref_slice %arg7[%arg1, %dma_start3A_148, %dma_start3A_157, %dma_start3A_158] : memref<16x3x128x128xf32, #tpu.memory_space<vmem_shared>> -> memref<1x1x128x128xf32, #tpu.memory_space<vmem_shared>>
    %dma_start3A_160 = tpu.memref_squeeze %dma_start3A_159 : memref<1x1x128x128xf32, #tpu.memory_space<vmem_shared>> -> memref<128x128xf32, #tpu.memory_space<vmem_shared>>
    %dma_start3A_161 = arith.constant 0 : i32
    %dma_start3A_162 = arith.constant 0 : i32
    %dma_start3A_163 = tpu.memref_slice %arg6[%dma_start3A_147, %dma_start3A_161, %dma_start3A_162] : memref<3x128x128xf32, #tpu.memory_space<vmem>> -> memref<1x128x128xf32, #tpu.memory_space<vmem>>
    %dma_start3A_164 = tpu.memref_squeeze %dma_start3A_163 : memref<1x128x128xf32, #tpu.memory_space<vmem>> -> memref<128x128xf32, #tpu.memory_space<vmem>>
    tpu.enqueue_dma source(%dma_start3A_164 : memref<128x128xf32, #tpu.memory_space<vmem>>) target(%dma_start3A_160 : memref<128x128xf32, #tpu.memory_space<vmem_shared>>) target_semaphore(%arg13 : memref<!tpu.dma_semaphore, #tpu.memory_space<semaphore_mem>>)
    %dma_wait3A_165 = arith.constant 1 : i32
    %dma_wait3A_166 = arith.constant 1 : i32
    %dma_wait3A_167 = arith.constant 0 : i32
    %dma_wait3A_168 = arith.constant 0 : i32
    %dma_wait3A_169 = tpu.memref_slice %arg6[%dma_wait3A_165, %dma_wait3A_167, %dma_wait3A_168] : memref<3x128x128xf32, #tpu.memory_space<vmem>> -> memref<1x128x128xf32, #tpu.memory_space<vmem>>
    %dma_wait3A_170 = tpu.memref_squeeze %dma_wait3A_169 : memref<1x128x128xf32, #tpu.memory_space<vmem>> -> memref<128x128xf32, #tpu.memory_space<vmem>>
    %dma_wait3A_171 = arith.constant 0 : i32
    %dma_wait3A_172 = arith.constant 0 : i32
    %dma_wait3A_173 = tpu.memref_slice %arg7[%arg1, %dma_wait3A_166, %dma_wait3A_171, %dma_wait3A_172] : memref<16x3x128x128xf32, #tpu.memory_space<vmem_shared>> -> memref<1x1x128x128xf32, #tpu.memory_space<vmem_shared>>
    %dma_wait3A_174 = tpu.memref_squeeze %dma_wait3A_173 : memref<1x1x128x128xf32, #tpu.memory_space<vmem_shared>> -> memref<128x128xf32, #tpu.memory_space<vmem_shared>>
    %dma_wait3A_175 = arith.constant 0 : i32
    %dma_wait3A_176 = arith.constant 0 : i32
    %dma_wait3A_177 = tpu.memref_slice %arg7[%arg1, %dma_wait3A_166, %dma_wait3A_175, %dma_wait3A_176] : memref<16x3x128x128xf32, #tpu.memory_space<vmem_shared>> -> memref<1x1x128x128xf32, #tpu.memory_space<vmem_shared>>
    %dma_wait3A_178 = tpu.memref_squeeze %dma_wait3A_177 : memref<1x1x128x128xf32, #tpu.memory_space<vmem_shared>> -> memref<128x128xf32, #tpu.memory_space<vmem_shared>>
    %dma_wait3A_179 = arith.constant 0 : i32
    %dma_wait3A_180 = arith.constant 0 : i32
    %dma_wait3A_181 = tpu.memref_slice %arg6[%dma_wait3A_165, %dma_wait3A_179, %dma_wait3A_180] : memref<3x128x128xf32, #tpu.memory_space<vmem>> -> memref<1x128x128xf32, #tpu.memory_space<vmem>>
    %dma_wait3A_182 = tpu.memref_squeeze %dma_wait3A_181 : memref<1x128x128xf32, #tpu.memory_space<vmem>> -> memref<128x128xf32, #tpu.memory_space<vmem>>
    tpu.wait_dma2 semaphore(%arg12 : memref<!tpu.dma_semaphore, #tpu.memory_space<semaphore_mem>>) src(%dma_wait3A_182 : memref<128x128xf32, #tpu.memory_space<vmem>>) dst(%dma_wait3A_178 : memref<128x128xf32, #tpu.memory_space<vmem_shared>>)
    %dma_start3A_183 = arith.constant 1 : i32
    %dma_start3A_184 = arith.constant 1 : i32
    %dma_start3A_185 = arith.constant 0 : i32
    %dma_start3A_186 = arith.constant 0 : i32
    %dma_start3A_187 = tpu.memref_slice %arg4[%add3A, %dma_start3A_184, %dma_start3A_185, %dma_start3A_186] : memref<32x50x128x128xf32, #tpu.memory_space<hbm>> -> memref<1x1x128x128xf32, #tpu.memory_space<hbm>>
    %dma_start3A_188 = tpu.memref_squeeze %dma_start3A_187 : memref<1x1x128x128xf32, #tpu.memory_space<hbm>> -> memref<128x128xf32, #tpu.memory_space<hbm>>
    %dma_start3A_189 = arith.constant 0 : i32
    %dma_start3A_190 = arith.constant 0 : i32
    %dma_start3A_191 = tpu.memref_slice %arg7[%arg1, %dma_start3A_183, %dma_start3A_189, %dma_start3A_190] : memref<16x3x128x128xf32, #tpu.memory_space<vmem_shared>> -> memref<1x1x128x128xf32, #tpu.memory_space<vmem_shared>>
    %dma_start3A_192 = tpu.memref_squeeze %dma_start3A_191 : memref<1x1x128x128xf32, #tpu.memory_space<vmem_shared>> -> memref<128x128xf32, #tpu.memory_space<vmem_shared>>
    tpu.enqueue_dma source(%dma_start3A_192 : memref<128x128xf32, #tpu.memory_space<vmem_shared>>) target(%dma_start3A_188 : memref<128x128xf32, #tpu.memory_space<hbm>>) target_semaphore(%arg15 : memref<!tpu.dma_semaphore, #tpu.memory_space<semaphore_mem>>)
    %dma_start3A_193 = arith.constant 4 : i32
    %dma_start3A_194 = arith.constant 1 : i32
    %dma_start3A_195 = arith.constant 0 : i32
    %dma_start3A_196 = arith.constant 0 : i32
    %dma_start3A_197 = tpu.memref_slice %arg6[%dma_start3A_194, %dma_start3A_195, %dma_start3A_196] : memref<3x128x128xf32, #tpu.memory_space<vmem>> -> memref<1x128x128xf32, #tpu.memory_space<vmem>>
    %dma_start3A_198 = tpu.memref_squeeze %dma_start3A_197 : memref<1x128x128xf32, #tpu.memory_space<vmem>> -> memref<128x128xf32, #tpu.memory_space<vmem>>
    %dma_start3A_199 = arith.constant 0 : i32
    %dma_start3A_200 = tpu.memref_slice %arg5[%dma_start3A_193, %dma_start3A_199] : memref<50x128xi32, #tpu.memory_space<vmem>> -> memref<1x128xi32, #tpu.memory_space<vmem>>
    %dma_start3A_201 = tpu.memref_squeeze %dma_start3A_200 : memref<1x128xi32, #tpu.memory_space<vmem>> -> memref<128xi32, #tpu.memory_space<vmem>>
    %dma_start3A_202 = arith.constant 0 : i32
    %dma_start3A_203 = arith.constant 0 : i32
    %dma_start3A_204 = tpu.memref_slice %arg3[%dma_start3A_202, %dma_start3A_203] : memref<100000x128xf32, #tpu.memory_space<hbm>> -> memref<100000x128xf32, #tpu.memory_space<hbm>>
    tpu.enqueue_indirect_dma source(%dma_start3A_204 : memref<100000x128xf32, #tpu.memory_space<hbm>>) target(%dma_start3A_198 : memref<128x128xf32, #tpu.memory_space<vmem>>) offsets(%dma_start3A_201 : memref<128xi32, #tpu.memory_space<vmem>>) semaphore(%arg9 : memref<!tpu.dma_semaphore, #tpu.memory_space<semaphore_mem>>)
    %scan3A = arith.constant 0 : i32
    %scan3A_205 = arith.constant 1 : i32
    %scan3A_206 = arith.constant 15 : i32
    %scan3A_207 = arith.addi %scan3A_205, %scan3A_206 : i32
    %scan3A_208 = arith.constant 1 : i32
    scf.for %scan3A_404 = %scan3A_205 to %scan3A_207 step %scan3A_208  : i32 {
      %mul3A_405 = arith.constant 3 : i32
      %mul3A_406 = arith.muli %scan3A_404, %mul3A_405 : i32
      %add3A_407 = arith.constant 0 : i32
      %add3A_408 = arith.addi %mul3A_406, %add3A_407 : i32
      %dma_wait3A_409 = arith.constant 0 : i32
      %dma_wait3A_410 = arith.constant 0 : i32
      %dma_wait3A_411 = arith.constant 0 : i32
      %dma_wait3A_412 = tpu.memref_slice %arg6[%dma_wait3A_409, %dma_wait3A_410, %dma_wait3A_411] : memref<3x128x128xf32, #tpu.memory_space<vmem>> -> memref<1x128x128xf32, #tpu.memory_space<vmem>>
      %dma_wait3A_413 = tpu.memref_squeeze %dma_wait3A_412 : memref<1x128x128xf32, #tpu.memory_space<vmem>> -> memref<128x128xf32, #tpu.memory_space<vmem>>
      %dma_wait3A_414 = arith.constant 0 : i32
      %dma_wait3A_415 = tpu.memref_slice %arg5[%add3A_408, %dma_wait3A_414] : memref<50x128xi32, #tpu.memory_space<vmem>> -> memref<1x128xi32, #tpu.memory_space<vmem>>
      %dma_wait3A_416 = tpu.memref_squeeze %dma_wait3A_415 : memref<1x128xi32, #tpu.memory_space<vmem>> -> memref<128xi32, #tpu.memory_space<vmem>>
      %dma_wait3A_417 = arith.constant 0 : i32
      %dma_wait3A_418 = arith.constant 0 : i32
      %dma_wait3A_419 = tpu.memref_slice %arg3[%dma_wait3A_417, %dma_wait3A_418] : memref<100000x128xf32, #tpu.memory_space<hbm>> -> memref<100000x128xf32, #tpu.memory_space<hbm>>
      tpu.wait_indirect_dma semaphore(%arg8 : memref<!tpu.dma_semaphore, #tpu.memory_space<semaphore_mem>>) src(%dma_wait3A_419 : memref<100000x128xf32, #tpu.memory_space<hbm>>) dst(%dma_wait3A_413 : memref<128x128xf32, #tpu.memory_space<vmem>>)
      %dma_wait3A_420 = arith.constant 0 : i32
      %dma_wait3A_421 = arith.constant 0 : i32
      %dma_wait3A_422 = arith.constant 0 : i32
      %dma_wait3A_423 = tpu.memref_slice %arg4[%add3A, %add3A_408, %dma_wait3A_421, %dma_wait3A_422] : memref<32x50x128x128xf32, #tpu.memory_space<hbm>> -> memref<1x1x128x128xf32, #tpu.memory_space<hbm>>
      %dma_wait3A_424 = tpu.memref_squeeze %dma_wait3A_423 : memref<1x1x128x128xf32, #tpu.memory_space<hbm>> -> memref<128x128xf32, #tpu.memory_space<hbm>>
      %dma_wait3A_425 = arith.constant 0 : i32
      %dma_wait3A_426 = arith.constant 0 : i32
      %dma_wait3A_427 = tpu.memref_slice %arg7[%arg1, %dma_wait3A_420, %dma_wait3A_425, %dma_wait3A_426] : memref<16x3x128x128xf32, #tpu.memory_space<vmem_shared>> -> memref<1x1x128x128xf32, #tpu.memory_space<vmem_shared>>
      %dma_wait3A_428 = tpu.memref_squeeze %dma_wait3A_427 : memref<1x1x128x128xf32, #tpu.memory_space<vmem_shared>> -> memref<128x128xf32, #tpu.memory_space<vmem_shared>>
      tpu.wait_dma2 semaphore(%arg14 : memref<!tpu.dma_semaphore, #tpu.memory_space<semaphore_mem>>) src(%dma_wait3A_428 : memref<128x128xf32, #tpu.memory_space<vmem_shared>>) dst(%dma_wait3A_424 : memref<128x128xf32, #tpu.memory_space<hbm>>)
      %dma_start3A_429 = arith.constant 0 : i32
      %dma_start3A_430 = arith.constant 0 : i32
      %dma_start3A_431 = arith.constant 0 : i32
      %dma_start3A_432 = arith.constant 0 : i32
      %dma_start3A_433 = tpu.memref_slice %arg6[%dma_start3A_429, %dma_start3A_431, %dma_start3A_432] : memref<3x128x128xf32, #tpu.memory_space<vmem>> -> memref<1x128x128xf32, #tpu.memory_space<vmem>>
      %dma_start3A_434 = tpu.memref_squeeze %dma_start3A_433 : memref<1x128x128xf32, #tpu.memory_space<vmem>> -> memref<128x128xf32, #tpu.memory_space<vmem>>
      %dma_start3A_435 = arith.constant 0 : i32
      %dma_start3A_436 = arith.constant 0 : i32
      %dma_start3A_437 = tpu.memref_slice %arg7[%arg1, %dma_start3A_430, %dma_start3A_435, %dma_start3A_436] : memref<16x3x128x128xf32, #tpu.memory_space<vmem_shared>> -> memref<1x1x128x128xf32, #tpu.memory_space<vmem_shared>>
      %dma_start3A_438 = tpu.memref_squeeze %dma_start3A_437 : memref<1x1x128x128xf32, #tpu.memory_space<vmem_shared>> -> memref<128x128xf32, #tpu.memory_space<vmem_shared>>
      %dma_start3A_439 = arith.constant 0 : i32
      %dma_start3A_440 = arith.constant 0 : i32
      %dma_start3A_441 = tpu.memref_slice %arg7[%arg1, %dma_start3A_430, %dma_start3A_439, %dma_start3A_440] : memref<16x3x128x128xf32, #tpu.memory_space<vmem_shared>> -> memref<1x1x128x128xf32, #tpu.memory_space<vmem_shared>>
      %dma_start3A_442 = tpu.memref_squeeze %dma_start3A_441 : memref<1x1x128x128xf32, #tpu.memory_space<vmem_shared>> -> memref<128x128xf32, #tpu.memory_space<vmem_shared>>
      %dma_start3A_443 = arith.constant 0 : i32
      %dma_start3A_444 = arith.constant 0 : i32
      %dma_start3A_445 = tpu.memref_slice %arg6[%dma_start3A_429, %dma_start3A_443, %dma_start3A_444] : memref<3x128x128xf32, #tpu.memory_space<vmem>> -> memref<1x128x128xf32, #tpu.memory_space<vmem>>
      %dma_start3A_446 = tpu.memref_squeeze %dma_start3A_445 : memref<1x128x128xf32, #tpu.memory_space<vmem>> -> memref<128x128xf32, #tpu.memory_space<vmem>>
      tpu.enqueue_dma source(%dma_start3A_446 : memref<128x128xf32, #tpu.memory_space<vmem>>) target(%dma_start3A_442 : memref<128x128xf32, #tpu.memory_space<vmem_shared>>) target_semaphore(%arg11 : memref<!tpu.dma_semaphore, #tpu.memory_space<semaphore_mem>>)
      %dma_wait3A_447 = arith.constant 2 : i32
      %dma_wait3A_448 = arith.constant 2 : i32
      %dma_wait3A_449 = arith.constant 0 : i32
      %dma_wait3A_450 = arith.constant 0 : i32
      %dma_wait3A_451 = tpu.memref_slice %arg6[%dma_wait3A_447, %dma_wait3A_449, %dma_wait3A_450] : memref<3x128x128xf32, #tpu.memory_space<vmem>> -> memref<1x128x128xf32, #tpu.memory_space<vmem>>
      %dma_wait3A_452 = tpu.memref_squeeze %dma_wait3A_451 : memref<1x128x128xf32, #tpu.memory_space<vmem>> -> memref<128x128xf32, #tpu.memory_space<vmem>>
      %dma_wait3A_453 = arith.constant 0 : i32
      %dma_wait3A_454 = arith.constant 0 : i32
      %dma_wait3A_455 = tpu.memref_slice %arg7[%arg1, %dma_wait3A_448, %dma_wait3A_453, %dma_wait3A_454] : memref<16x3x128x128xf32, #tpu.memory_space<vmem_shared>> -> memref<1x1x128x128xf32, #tpu.memory_space<vmem_shared>>
      %dma_wait3A_456 = tpu.memref_squeeze %dma_wait3A_455 : memref<1x1x128x128xf32, #tpu.memory_space<vmem_shared>> -> memref<128x128xf32, #tpu.memory_space<vmem_shared>>
      %dma_wait3A_457 = arith.constant 0 : i32
      %dma_wait3A_458 = arith.constant 0 : i32
      %dma_wait3A_459 = tpu.memref_slice %arg7[%arg1, %dma_wait3A_448, %dma_wait3A_457, %dma_wait3A_458] : memref<16x3x128x128xf32, #tpu.memory_space<vmem_shared>> -> memref<1x1x128x128xf32, #tpu.memory_space<vmem_shared>>
      %dma_wait3A_460 = tpu.memref_squeeze %dma_wait3A_459 : memref<1x1x128x128xf32, #tpu.memory_space<vmem_shared>> -> memref<128x128xf32, #tpu.memory_space<vmem_shared>>
      %dma_wait3A_461 = arith.constant 0 : i32
      %dma_wait3A_462 = arith.constant 0 : i32
      %dma_wait3A_463 = tpu.memref_slice %arg6[%dma_wait3A_447, %dma_wait3A_461, %dma_wait3A_462] : memref<3x128x128xf32, #tpu.memory_space<vmem>> -> memref<1x128x128xf32, #tpu.memory_space<vmem>>
      %dma_wait3A_464 = tpu.memref_squeeze %dma_wait3A_463 : memref<1x128x128xf32, #tpu.memory_space<vmem>> -> memref<128x128xf32, #tpu.memory_space<vmem>>
      tpu.wait_dma2 semaphore(%arg13 : memref<!tpu.dma_semaphore, #tpu.memory_space<semaphore_mem>>) src(%dma_wait3A_464 : memref<128x128xf32, #tpu.memory_space<vmem>>) dst(%dma_wait3A_460 : memref<128x128xf32, #tpu.memory_space<vmem_shared>>)
      %sub3A = arith.constant 1 : i32
      %sub3A_465 = arith.subi %add3A_408, %sub3A : i32
      %dma_start3A_466 = arith.constant 2 : i32
      %dma_start3A_467 = arith.constant 0 : i32
      %dma_start3A_468 = arith.constant 0 : i32
      %dma_start3A_469 = tpu.memref_slice %arg4[%add3A, %sub3A_465, %dma_start3A_467, %dma_start3A_468] : memref<32x50x128x128xf32, #tpu.memory_space<hbm>> -> memref<1x1x128x128xf32, #tpu.memory_space<hbm>>
      %dma_start3A_470 = tpu.memref_squeeze %dma_start3A_469 : memref<1x1x128x128xf32, #tpu.memory_space<hbm>> -> memref<128x128xf32, #tpu.memory_space<hbm>>
      %dma_start3A_471 = arith.constant 0 : i32
      %dma_start3A_472 = arith.constant 0 : i32
      %dma_start3A_473 = tpu.memref_slice %arg7[%arg1, %dma_start3A_466, %dma_start3A_471, %dma_start3A_472] : memref<16x3x128x128xf32, #tpu.memory_space<vmem_shared>> -> memref<1x1x128x128xf32, #tpu.memory_space<vmem_shared>>
      %dma_start3A_474 = tpu.memref_squeeze %dma_start3A_473 : memref<1x1x128x128xf32, #tpu.memory_space<vmem_shared>> -> memref<128x128xf32, #tpu.memory_space<vmem_shared>>
      tpu.enqueue_dma source(%dma_start3A_474 : memref<128x128xf32, #tpu.memory_space<vmem_shared>>) target(%dma_start3A_470 : memref<128x128xf32, #tpu.memory_space<hbm>>) target_semaphore(%arg16 : memref<!tpu.dma_semaphore, #tpu.memory_space<semaphore_mem>>)
      %add3A_475 = arith.constant 2 : i32
      %add3A_476 = arith.addi %add3A_408, %add3A_475 : i32
      %dma_start3A_477 = arith.constant 2 : i32
      %dma_start3A_478 = arith.constant 0 : i32
      %dma_start3A_479 = arith.constant 0 : i32
      %dma_start3A_480 = tpu.memref_slice %arg6[%dma_start3A_477, %dma_start3A_478, %dma_start3A_479] : memref<3x128x128xf32, #tpu.memory_space<vmem>> -> memref<1x128x128xf32, #tpu.memory_space<vmem>>
      %dma_start3A_481 = tpu.memref_squeeze %dma_start3A_480 : memref<1x128x128xf32, #tpu.memory_space<vmem>> -> memref<128x128xf32, #tpu.memory_space<vmem>>
      %dma_start3A_482 = arith.constant 0 : i32
      %dma_start3A_483 = tpu.memref_slice %arg5[%add3A_476, %dma_start3A_482] : memref<50x128xi32, #tpu.memory_space<vmem>> -> memref<1x128xi32, #tpu.memory_space<vmem>>
      %dma_start3A_484 = tpu.memref_squeeze %dma_start3A_483 : memref<1x128xi32, #tpu.memory_space<vmem>> -> memref<128xi32, #tpu.memory_space<vmem>>
      %dma_start3A_485 = arith.constant 0 : i32
      %dma_start3A_486 = arith.constant 0 : i32
      %dma_start3A_487 = tpu.memref_slice %arg3[%dma_start3A_485, %dma_start3A_486] : memref<100000x128xf32, #tpu.memory_space<hbm>> -> memref<100000x128xf32, #tpu.memory_space<hbm>>
      tpu.enqueue_indirect_dma source(%dma_start3A_487 : memref<100000x128xf32, #tpu.memory_space<hbm>>) target(%dma_start3A_481 : memref<128x128xf32, #tpu.memory_space<vmem>>) offsets(%dma_start3A_484 : memref<128xi32, #tpu.memory_space<vmem>>) semaphore(%arg10 : memref<!tpu.dma_semaphore, #tpu.memory_space<semaphore_mem>>)
      %add3A_488 = arith.constant 1 : i32
      %add3A_489 = arith.addi %mul3A_406, %add3A_488 : i32
      %dma_wait3A_490 = arith.constant 1 : i32
      %dma_wait3A_491 = arith.constant 0 : i32
      %dma_wait3A_492 = arith.constant 0 : i32
      %dma_wait3A_493 = tpu.memref_slice %arg6[%dma_wait3A_490, %dma_wait3A_491, %dma_wait3A_492] : memref<3x128x128xf32, #tpu.memory_space<vmem>> -> memref<1x128x128xf32, #tpu.memory_space<vmem>>
      %dma_wait3A_494 = tpu.memref_squeeze %dma_wait3A_493 : memref<1x128x128xf32, #tpu.memory_space<vmem>> -> memref<128x128xf32, #tpu.memory_space<vmem>>
      %dma_wait3A_495 = arith.constant 0 : i32
      %dma_wait3A_496 = tpu.memref_slice %arg5[%add3A_489, %dma_wait3A_495] : memref<50x128xi32, #tpu.memory_space<vmem>> -> memref<1x128xi32, #tpu.memory_space<vmem>>
      %dma_wait3A_497 = tpu.memref_squeeze %dma_wait3A_496 : memref<1x128xi32, #tpu.memory_space<vmem>> -> memref<128xi32, #tpu.memory_space<vmem>>
      %dma_wait3A_498 = arith.constant 0 : i32
      %dma_wait3A_499 = arith.constant 0 : i32
      %dma_wait3A_500 = tpu.memref_slice %arg3[%dma_wait3A_498, %dma_wait3A_499] : memref<100000x128xf32, #tpu.memory_space<hbm>> -> memref<100000x128xf32, #tpu.memory_space<hbm>>
      tpu.wait_indirect_dma semaphore(%arg9 : memref<!tpu.dma_semaphore, #tpu.memory_space<semaphore_mem>>) src(%dma_wait3A_500 : memref<100000x128xf32, #tpu.memory_space<hbm>>) dst(%dma_wait3A_494 : memref<128x128xf32, #tpu.memory_space<vmem>>)
      %dma_wait3A_501 = arith.constant 1 : i32
      %dma_wait3A_502 = arith.constant 0 : i32
      %dma_wait3A_503 = arith.constant 0 : i32
      %dma_wait3A_504 = tpu.memref_slice %arg4[%add3A, %add3A_489, %dma_wait3A_502, %dma_wait3A_503] : memref<32x50x128x128xf32, #tpu.memory_space<hbm>> -> memref<1x1x128x128xf32, #tpu.memory_space<hbm>>
      %dma_wait3A_505 = tpu.memref_squeeze %dma_wait3A_504 : memref<1x1x128x128xf32, #tpu.memory_space<hbm>> -> memref<128x128xf32, #tpu.memory_space<hbm>>
      %dma_wait3A_506 = arith.constant 0 : i32
      %dma_wait3A_507 = arith.constant 0 : i32
      %dma_wait3A_508 = tpu.memref_slice %arg7[%arg1, %dma_wait3A_501, %dma_wait3A_506, %dma_wait3A_507] : memref<16x3x128x128xf32, #tpu.memory_space<vmem_shared>> -> memref<1x1x128x128xf32, #tpu.memory_space<vmem_shared>>
      %dma_wait3A_509 = tpu.memref_squeeze %dma_wait3A_508 : memref<1x1x128x128xf32, #tpu.memory_space<vmem_shared>> -> memref<128x128xf32, #tpu.memory_space<vmem_shared>>
      tpu.wait_dma2 semaphore(%arg15 : memref<!tpu.dma_semaphore, #tpu.memory_space<semaphore_mem>>) src(%dma_wait3A_509 : memref<128x128xf32, #tpu.memory_space<vmem_shared>>) dst(%dma_wait3A_505 : memref<128x128xf32, #tpu.memory_space<hbm>>)
      %dma_start3A_510 = arith.constant 1 : i32
      %dma_start3A_511 = arith.constant 1 : i32
      %dma_start3A_512 = arith.constant 0 : i32
      %dma_start3A_513 = arith.constant 0 : i32
      %dma_start3A_514 = tpu.memref_slice %arg6[%dma_start3A_510, %dma_start3A_512, %dma_start3A_513] : memref<3x128x128xf32, #tpu.memory_space<vmem>> -> memref<1x128x128xf32, #tpu.memory_space<vmem>>
      %dma_start3A_515 = tpu.memref_squeeze %dma_start3A_514 : memref<1x128x128xf32, #tpu.memory_space<vmem>> -> memref<128x128xf32, #tpu.memory_space<vmem>>
      %dma_start3A_516 = arith.constant 0 : i32
      %dma_start3A_517 = arith.constant 0 : i32
      %dma_start3A_518 = tpu.memref_slice %arg7[%arg1, %dma_start3A_511, %dma_start3A_516, %dma_start3A_517] : memref<16x3x128x128xf32, #tpu.memory_space<vmem_shared>> -> memref<1x1x128x128xf32, #tpu.memory_space<vmem_shared>>
      %dma_start3A_519 = tpu.memref_squeeze %dma_start3A_518 : memref<1x1x128x128xf32, #tpu.memory_space<vmem_shared>> -> memref<128x128xf32, #tpu.memory_space<vmem_shared>>
      %dma_start3A_520 = arith.constant 0 : i32
      %dma_start3A_521 = arith.constant 0 : i32
      %dma_start3A_522 = tpu.memref_slice %arg7[%arg1, %dma_start3A_511, %dma_start3A_520, %dma_start3A_521] : memref<16x3x128x128xf32, #tpu.memory_space<vmem_shared>> -> memref<1x1x128x128xf32, #tpu.memory_space<vmem_shared>>
      %dma_start3A_523 = tpu.memref_squeeze %dma_start3A_522 : memref<1x1x128x128xf32, #tpu.memory_space<vmem_shared>> -> memref<128x128xf32, #tpu.memory_space<vmem_shared>>
      %dma_start3A_524 = arith.constant 0 : i32
      %dma_start3A_525 = arith.constant 0 : i32
      %dma_start3A_526 = tpu.memref_slice %arg6[%dma_start3A_510, %dma_start3A_524, %dma_start3A_525] : memref<3x128x128xf32, #tpu.memory_space<vmem>> -> memref<1x128x128xf32, #tpu.memory_space<vmem>>
      %dma_start3A_527 = tpu.memref_squeeze %dma_start3A_526 : memref<1x128x128xf32, #tpu.memory_space<vmem>> -> memref<128x128xf32, #tpu.memory_space<vmem>>
      tpu.enqueue_dma source(%dma_start3A_527 : memref<128x128xf32, #tpu.memory_space<vmem>>) target(%dma_start3A_523 : memref<128x128xf32, #tpu.memory_space<vmem_shared>>) target_semaphore(%arg12 : memref<!tpu.dma_semaphore, #tpu.memory_space<semaphore_mem>>)
      %dma_wait3A_528 = arith.constant 0 : i32
      %dma_wait3A_529 = arith.constant 0 : i32
      %dma_wait3A_530 = arith.constant 0 : i32
      %dma_wait3A_531 = arith.constant 0 : i32
      %dma_wait3A_532 = tpu.memref_slice %arg6[%dma_wait3A_528, %dma_wait3A_530, %dma_wait3A_531] : memref<3x128x128xf32, #tpu.memory_space<vmem>> -> memref<1x128x128xf32, #tpu.memory_space<vmem>>
      %dma_wait3A_533 = tpu.memref_squeeze %dma_wait3A_532 : memref<1x128x128xf32, #tpu.memory_space<vmem>> -> memref<128x128xf32, #tpu.memory_space<vmem>>
      %dma_wait3A_534 = arith.constant 0 : i32
      %dma_wait3A_535 = arith.constant 0 : i32
      %dma_wait3A_536 = tpu.memref_slice %arg7[%arg1, %dma_wait3A_529, %dma_wait3A_534, %dma_wait3A_535] : memref<16x3x128x128xf32, #tpu.memory_space<vmem_shared>> -> memref<1x1x128x128xf32, #tpu.memory_space<vmem_shared>>
      %dma_wait3A_537 = tpu.memref_squeeze %dma_wait3A_536 : memref<1x1x128x128xf32, #tpu.memory_space<vmem_shared>> -> memref<128x128xf32, #tpu.memory_space<vmem_shared>>
      %dma_wait3A_538 = arith.constant 0 : i32
      %dma_wait3A_539 = arith.constant 0 : i32
      %dma_wait3A_540 = tpu.memref_slice %arg7[%arg1, %dma_wait3A_529, %dma_wait3A_538, %dma_wait3A_539] : memref<16x3x128x128xf32, #tpu.memory_space<vmem_shared>> -> memref<1x1x128x128xf32, #tpu.memory_space<vmem_shared>>
      %dma_wait3A_541 = tpu.memref_squeeze %dma_wait3A_540 : memref<1x1x128x128xf32, #tpu.memory_space<vmem_shared>> -> memref<128x128xf32, #tpu.memory_space<vmem_shared>>
      %dma_wait3A_542 = arith.constant 0 : i32
      %dma_wait3A_543 = arith.constant 0 : i32
      %dma_wait3A_544 = tpu.memref_slice %arg6[%dma_wait3A_528, %dma_wait3A_542, %dma_wait3A_543] : memref<3x128x128xf32, #tpu.memory_space<vmem>> -> memref<1x128x128xf32, #tpu.memory_space<vmem>>
      %dma_wait3A_545 = tpu.memref_squeeze %dma_wait3A_544 : memref<1x128x128xf32, #tpu.memory_space<vmem>> -> memref<128x128xf32, #tpu.memory_space<vmem>>
      tpu.wait_dma2 semaphore(%arg11 : memref<!tpu.dma_semaphore, #tpu.memory_space<semaphore_mem>>) src(%dma_wait3A_545 : memref<128x128xf32, #tpu.memory_space<vmem>>) dst(%dma_wait3A_541 : memref<128x128xf32, #tpu.memory_space<vmem_shared>>)
      %sub3A_546 = arith.constant 1 : i32
      %sub3A_547 = arith.subi %add3A_489, %sub3A_546 : i32
      %dma_start3A_548 = arith.constant 0 : i32
      %dma_start3A_549 = arith.constant 0 : i32
      %dma_start3A_550 = arith.constant 0 : i32
      %dma_start3A_551 = tpu.memref_slice %arg4[%add3A, %sub3A_547, %dma_start3A_549, %dma_start3A_550] : memref<32x50x128x128xf32, #tpu.memory_space<hbm>> -> memref<1x1x128x128xf32, #tpu.memory_space<hbm>>
      %dma_start3A_552 = tpu.memref_squeeze %dma_start3A_551 : memref<1x1x128x128xf32, #tpu.memory_space<hbm>> -> memref<128x128xf32, #tpu.memory_space<hbm>>
      %dma_start3A_553 = arith.constant 0 : i32
      %dma_start3A_554 = arith.constant 0 : i32
      %dma_start3A_555 = tpu.memref_slice %arg7[%arg1, %dma_start3A_548, %dma_start3A_553, %dma_start3A_554] : memref<16x3x128x128xf32, #tpu.memory_space<vmem_shared>> -> memref<1x1x128x128xf32, #tpu.memory_space<vmem_shared>>
      %dma_start3A_556 = tpu.memref_squeeze %dma_start3A_555 : memref<1x1x128x128xf32, #tpu.memory_space<vmem_shared>> -> memref<128x128xf32, #tpu.memory_space<vmem_shared>>
      tpu.enqueue_dma source(%dma_start3A_556 : memref<128x128xf32, #tpu.memory_space<vmem_shared>>) target(%dma_start3A_552 : memref<128x128xf32, #tpu.memory_space<hbm>>) target_semaphore(%arg14 : memref<!tpu.dma_semaphore, #tpu.memory_space<semaphore_mem>>)
      %add3A_557 = arith.constant 2 : i32
      %add3A_558 = arith.addi %add3A_489, %add3A_557 : i32
      %dma_start3A_559 = arith.constant 0 : i32
      %dma_start3A_560 = arith.constant 0 : i32
      %dma_start3A_561 = arith.constant 0 : i32
      %dma_start3A_562 = tpu.memref_slice %arg6[%dma_start3A_559, %dma_start3A_560, %dma_start3A_561] : memref<3x128x128xf32, #tpu.memory_space<vmem>> -> memref<1x128x128xf32, #tpu.memory_space<vmem>>
      %dma_start3A_563 = tpu.memref_squeeze %dma_start3A_562 : memref<1x128x128xf32, #tpu.memory_space<vmem>> -> memref<128x128xf32, #tpu.memory_space<vmem>>
      %dma_start3A_564 = arith.constant 0 : i32
      %dma_start3A_565 = tpu.memref_slice %arg5[%add3A_558, %dma_start3A_564] : memref<50x128xi32, #tpu.memory_space<vmem>> -> memref<1x128xi32, #tpu.memory_space<vmem>>
      %dma_start3A_566 = tpu.memref_squeeze %dma_start3A_565 : memref<1x128xi32, #tpu.memory_space<vmem>> -> memref<128xi32, #tpu.memory_space<vmem>>
      %dma_start3A_567 = arith.constant 0 : i32
      %dma_start3A_568 = arith.constant 0 : i32
      %dma_start3A_569 = tpu.memref_slice %arg3[%dma_start3A_567, %dma_start3A_568] : memref<100000x128xf32, #tpu.memory_space<hbm>> -> memref<100000x128xf32, #tpu.memory_space<hbm>>
      tpu.enqueue_indirect_dma source(%dma_start3A_569 : memref<100000x128xf32, #tpu.memory_space<hbm>>) target(%dma_start3A_563 : memref<128x128xf32, #tpu.memory_space<vmem>>) offsets(%dma_start3A_566 : memref<128xi32, #tpu.memory_space<vmem>>) semaphore(%arg8 : memref<!tpu.dma_semaphore, #tpu.memory_space<semaphore_mem>>)
      %add3A_570 = arith.constant 2 : i32
      %add3A_571 = arith.addi %mul3A_406, %add3A_570 : i32
      %dma_wait3A_572 = arith.constant 2 : i32
      %dma_wait3A_573 = arith.constant 0 : i32
      %dma_wait3A_574 = arith.constant 0 : i32
      %dma_wait3A_575 = tpu.memref_slice %arg6[%dma_wait3A_572, %dma_wait3A_573, %dma_wait3A_574] : memref<3x128x128xf32, #tpu.memory_space<vmem>> -> memref<1x128x128xf32, #tpu.memory_space<vmem>>
      %dma_wait3A_576 = tpu.memref_squeeze %dma_wait3A_575 : memref<1x128x128xf32, #tpu.memory_space<vmem>> -> memref<128x128xf32, #tpu.memory_space<vmem>>
      %dma_wait3A_577 = arith.constant 0 : i32
      %dma_wait3A_578 = tpu.memref_slice %arg5[%add3A_571, %dma_wait3A_577] : memref<50x128xi32, #tpu.memory_space<vmem>> -> memref<1x128xi32, #tpu.memory_space<vmem>>
      %dma_wait3A_579 = tpu.memref_squeeze %dma_wait3A_578 : memref<1x128xi32, #tpu.memory_space<vmem>> -> memref<128xi32, #tpu.memory_space<vmem>>
      %dma_wait3A_580 = arith.constant 0 : i32
      %dma_wait3A_581 = arith.constant 0 : i32
      %dma_wait3A_582 = tpu.memref_slice %arg3[%dma_wait3A_580, %dma_wait3A_581] : memref<100000x128xf32, #tpu.memory_space<hbm>> -> memref<100000x128xf32, #tpu.memory_space<hbm>>
      tpu.wait_indirect_dma semaphore(%arg10 : memref<!tpu.dma_semaphore, #tpu.memory_space<semaphore_mem>>) src(%dma_wait3A_582 : memref<100000x128xf32, #tpu.memory_space<hbm>>) dst(%dma_wait3A_576 : memref<128x128xf32, #tpu.memory_space<vmem>>)
      %dma_wait3A_583 = arith.constant 2 : i32
      %dma_wait3A_584 = arith.constant 0 : i32
      %dma_wait3A_585 = arith.constant 0 : i32
      %dma_wait3A_586 = tpu.memref_slice %arg4[%add3A, %add3A_571, %dma_wait3A_584, %dma_wait3A_585] : memref<32x50x128x128xf32, #tpu.memory_space<hbm>> -> memref<1x1x128x128xf32, #tpu.memory_space<hbm>>
      %dma_wait3A_587 = tpu.memref_squeeze %dma_wait3A_586 : memref<1x1x128x128xf32, #tpu.memory_space<hbm>> -> memref<128x128xf32, #tpu.memory_space<hbm>>
      %dma_wait3A_588 = arith.constant 0 : i32
      %dma_wait3A_589 = arith.constant 0 : i32
      %dma_wait3A_590 = tpu.memref_slice %arg7[%arg1, %dma_wait3A_583, %dma_wait3A_588, %dma_wait3A_589] : memref<16x3x128x128xf32, #tpu.memory_space<vmem_shared>> -> memref<1x1x128x128xf32, #tpu.memory_space<vmem_shared>>
      %dma_wait3A_591 = tpu.memref_squeeze %dma_wait3A_590 : memref<1x1x128x128xf32, #tpu.memory_space<vmem_shared>> -> memref<128x128xf32, #tpu.memory_space<vmem_shared>>
      tpu.wait_dma2 semaphore(%arg16 : memref<!tpu.dma_semaphore, #tpu.memory_space<semaphore_mem>>) src(%dma_wait3A_591 : memref<128x128xf32, #tpu.memory_space<vmem_shared>>) dst(%dma_wait3A_587 : memref<128x128xf32, #tpu.memory_space<hbm>>)
      %dma_start3A_592 = arith.constant 2 : i32
      %dma_start3A_593 = arith.constant 2 : i32
      %dma_start3A_594 = arith.constant 0 : i32
      %dma_start3A_595 = arith.constant 0 : i32
      %dma_start3A_596 = tpu.memref_slice %arg6[%dma_start3A_592, %dma_start3A_594, %dma_start3A_595] : memref<3x128x128xf32, #tpu.memory_space<vmem>> -> memref<1x128x128xf32, #tpu.memory_space<vmem>>
      %dma_start3A_597 = tpu.memref_squeeze %dma_start3A_596 : memref<1x128x128xf32, #tpu.memory_space<vmem>> -> memref<128x128xf32, #tpu.memory_space<vmem>>
      %dma_start3A_598 = arith.constant 0 : i32
      %dma_start3A_599 = arith.constant 0 : i32
      %dma_start3A_600 = tpu.memref_slice %arg7[%arg1, %dma_start3A_593, %dma_start3A_598, %dma_start3A_599] : memref<16x3x128x128xf32, #tpu.memory_space<vmem_shared>> -> memref<1x1x128x128xf32, #tpu.memory_space<vmem_shared>>
      %dma_start3A_601 = tpu.memref_squeeze %dma_start3A_600 : memref<1x1x128x128xf32, #tpu.memory_space<vmem_shared>> -> memref<128x128xf32, #tpu.memory_space<vmem_shared>>
      %dma_start3A_602 = arith.constant 0 : i32
      %dma_start3A_603 = arith.constant 0 : i32
      %dma_start3A_604 = tpu.memref_slice %arg7[%arg1, %dma_start3A_593, %dma_start3A_602, %dma_start3A_603] : memref<16x3x128x128xf32, #tpu.memory_space<vmem_shared>> -> memref<1x1x128x128xf32, #tpu.memory_space<vmem_shared>>
      %dma_start3A_605 = tpu.memref_squeeze %dma_start3A_604 : memref<1x1x128x128xf32, #tpu.memory_space<vmem_shared>> -> memref<128x128xf32, #tpu.memory_space<vmem_shared>>
      %dma_start3A_606 = arith.constant 0 : i32
      %dma_start3A_607 = arith.constant 0 : i32
      %dma_start3A_608 = tpu.memref_slice %arg6[%dma_start3A_592, %dma_start3A_606, %dma_start3A_607] : memref<3x128x128xf32, #tpu.memory_space<vmem>> -> memref<1x128x128xf32, #tpu.memory_space<vmem>>
      %dma_start3A_609 = tpu.memref_squeeze %dma_start3A_608 : memref<1x128x128xf32, #tpu.memory_space<vmem>> -> memref<128x128xf32, #tpu.memory_space<vmem>>
      tpu.enqueue_dma source(%dma_start3A_609 : memref<128x128xf32, #tpu.memory_space<vmem>>) target(%dma_start3A_605 : memref<128x128xf32, #tpu.memory_space<vmem_shared>>) target_semaphore(%arg13 : memref<!tpu.dma_semaphore, #tpu.memory_space<semaphore_mem>>)
      %dma_wait3A_610 = arith.constant 1 : i32
      %dma_wait3A_611 = arith.constant 1 : i32
      %dma_wait3A_612 = arith.constant 0 : i32
      %dma_wait3A_613 = arith.constant 0 : i32
      %dma_wait3A_614 = tpu.memref_slice %arg6[%dma_wait3A_610, %dma_wait3A_612, %dma_wait3A_613] : memref<3x128x128xf32, #tpu.memory_space<vmem>> -> memref<1x128x128xf32, #tpu.memory_space<vmem>>
      %dma_wait3A_615 = tpu.memref_squeeze %dma_wait3A_614 : memref<1x128x128xf32, #tpu.memory_space<vmem>> -> memref<128x128xf32, #tpu.memory_space<vmem>>
      %dma_wait3A_616 = arith.constant 0 : i32
      %dma_wait3A_617 = arith.constant 0 : i32
      %dma_wait3A_618 = tpu.memref_slice %arg7[%arg1, %dma_wait3A_611, %dma_wait3A_616, %dma_wait3A_617] : memref<16x3x128x128xf32, #tpu.memory_space<vmem_shared>> -> memref<1x1x128x128xf32, #tpu.memory_space<vmem_shared>>
      %dma_wait3A_619 = tpu.memref_squeeze %dma_wait3A_618 : memref<1x1x128x128xf32, #tpu.memory_space<vmem_shared>> -> memref<128x128xf32, #tpu.memory_space<vmem_shared>>
      %dma_wait3A_620 = arith.constant 0 : i32
      %dma_wait3A_621 = arith.constant 0 : i32
      %dma_wait3A_622 = tpu.memref_slice %arg7[%arg1, %dma_wait3A_611, %dma_wait3A_620, %dma_wait3A_621] : memref<16x3x128x128xf32, #tpu.memory_space<vmem_shared>> -> memref<1x1x128x128xf32, #tpu.memory_space<vmem_shared>>
      %dma_wait3A_623 = tpu.memref_squeeze %dma_wait3A_622 : memref<1x1x128x128xf32, #tpu.memory_space<vmem_shared>> -> memref<128x128xf32, #tpu.memory_space<vmem_shared>>
      %dma_wait3A_624 = arith.constant 0 : i32
      %dma_wait3A_625 = arith.constant 0 : i32
      %dma_wait3A_626 = tpu.memref_slice %arg6[%dma_wait3A_610, %dma_wait3A_624, %dma_wait3A_625] : memref<3x128x128xf32, #tpu.memory_space<vmem>> -> memref<1x128x128xf32, #tpu.memory_space<vmem>>
      %dma_wait3A_627 = tpu.memref_squeeze %dma_wait3A_626 : memref<1x128x128xf32, #tpu.memory_space<vmem>> -> memref<128x128xf32, #tpu.memory_space<vmem>>
      tpu.wait_dma2 semaphore(%arg12 : memref<!tpu.dma_semaphore, #tpu.memory_space<semaphore_mem>>) src(%dma_wait3A_627 : memref<128x128xf32, #tpu.memory_space<vmem>>) dst(%dma_wait3A_623 : memref<128x128xf32, #tpu.memory_space<vmem_shared>>)
      %sub3A_628 = arith.constant 1 : i32
      %sub3A_629 = arith.subi %add3A_571, %sub3A_628 : i32
      %dma_start3A_630 = arith.constant 1 : i32
      %dma_start3A_631 = arith.constant 0 : i32
      %dma_start3A_632 = arith.constant 0 : i32
      %dma_start3A_633 = tpu.memref_slice %arg4[%add3A, %sub3A_629, %dma_start3A_631, %dma_start3A_632] : memref<32x50x128x128xf32, #tpu.memory_space<hbm>> -> memref<1x1x128x128xf32, #tpu.memory_space<hbm>>
      %dma_start3A_634 = tpu.memref_squeeze %dma_start3A_633 : memref<1x1x128x128xf32, #tpu.memory_space<hbm>> -> memref<128x128xf32, #tpu.memory_space<hbm>>
      %dma_start3A_635 = arith.constant 0 : i32
      %dma_start3A_636 = arith.constant 0 : i32
      %dma_start3A_637 = tpu.memref_slice %arg7[%arg1, %dma_start3A_630, %dma_start3A_635, %dma_start3A_636] : memref<16x3x128x128xf32, #tpu.memory_space<vmem_shared>> -> memref<1x1x128x128xf32, #tpu.memory_space<vmem_shared>>
      %dma_start3A_638 = tpu.memref_squeeze %dma_start3A_637 : memref<1x1x128x128xf32, #tpu.memory_space<vmem_shared>> -> memref<128x128xf32, #tpu.memory_space<vmem_shared>>
      tpu.enqueue_dma source(%dma_start3A_638 : memref<128x128xf32, #tpu.memory_space<vmem_shared>>) target(%dma_start3A_634 : memref<128x128xf32, #tpu.memory_space<hbm>>) target_semaphore(%arg15 : memref<!tpu.dma_semaphore, #tpu.memory_space<semaphore_mem>>)
      %add3A_639 = arith.constant 2 : i32
      %add3A_640 = arith.addi %add3A_571, %add3A_639 : i32
      %dma_start3A_641 = arith.constant 1 : i32
      %dma_start3A_642 = arith.constant 0 : i32
      %dma_start3A_643 = arith.constant 0 : i32
      %dma_start3A_644 = tpu.memref_slice %arg6[%dma_start3A_641, %dma_start3A_642, %dma_start3A_643] : memref<3x128x128xf32, #tpu.memory_space<vmem>> -> memref<1x128x128xf32, #tpu.memory_space<vmem>>
      %dma_start3A_645 = tpu.memref_squeeze %dma_start3A_644 : memref<1x128x128xf32, #tpu.memory_space<vmem>> -> memref<128x128xf32, #tpu.memory_space<vmem>>
      %dma_start3A_646 = arith.constant 0 : i32
      %dma_start3A_647 = tpu.memref_slice %arg5[%add3A_640, %dma_start3A_646] : memref<50x128xi32, #tpu.memory_space<vmem>> -> memref<1x128xi32, #tpu.memory_space<vmem>>
      %dma_start3A_648 = tpu.memref_squeeze %dma_start3A_647 : memref<1x128xi32, #tpu.memory_space<vmem>> -> memref<128xi32, #tpu.memory_space<vmem>>
      %dma_start3A_649 = arith.constant 0 : i32
      %dma_start3A_650 = arith.constant 0 : i32
      %dma_start3A_651 = tpu.memref_slice %arg3[%dma_start3A_649, %dma_start3A_650] : memref<100000x128xf32, #tpu.memory_space<hbm>> -> memref<100000x128xf32, #tpu.memory_space<hbm>>
      tpu.enqueue_indirect_dma source(%dma_start3A_651 : memref<100000x128xf32, #tpu.memory_space<hbm>>) target(%dma_start3A_645 : memref<128x128xf32, #tpu.memory_space<vmem>>) offsets(%dma_start3A_648 : memref<128xi32, #tpu.memory_space<vmem>>) semaphore(%arg9 : memref<!tpu.dma_semaphore, #tpu.memory_space<semaphore_mem>>)
    }
    %scan3A_209 = arith.constant 15 : i32
    %dma_wait3A_210 = arith.constant 48 : i32
    %dma_wait3A_211 = arith.constant 0 : i32
    %dma_wait3A_212 = arith.constant 0 : i32
    %dma_wait3A_213 = arith.constant 0 : i32
    %dma_wait3A_214 = tpu.memref_slice %arg6[%dma_wait3A_211, %dma_wait3A_212, %dma_wait3A_213] : memref<3x128x128xf32, #tpu.memory_space<vmem>> -> memref<1x128x128xf32, #tpu.memory_space<vmem>>
    %dma_wait3A_215 = tpu.memref_squeeze %dma_wait3A_214 : memref<1x128x128xf32, #tpu.memory_space<vmem>> -> memref<128x128xf32, #tpu.memory_space<vmem>>
    %dma_wait3A_216 = arith.constant 0 : i32
    %dma_wait3A_217 = tpu.memref_slice %arg5[%dma_wait3A_210, %dma_wait3A_216] : memref<50x128xi32, #tpu.memory_space<vmem>> -> memref<1x128xi32, #tpu.memory_space<vmem>>
    %dma_wait3A_218 = tpu.memref_squeeze %dma_wait3A_217 : memref<1x128xi32, #tpu.memory_space<vmem>> -> memref<128xi32, #tpu.memory_space<vmem>>
    %dma_wait3A_219 = arith.constant 0 : i32
    %dma_wait3A_220 = arith.constant 0 : i32
    %dma_wait3A_221 = tpu.memref_slice %arg3[%dma_wait3A_219, %dma_wait3A_220] : memref<100000x128xf32, #tpu.memory_space<hbm>> -> memref<100000x128xf32, #tpu.memory_space<hbm>>
    tpu.wait_indirect_dma semaphore(%arg8 : memref<!tpu.dma_semaphore, #tpu.memory_space<semaphore_mem>>) src(%dma_wait3A_221 : memref<100000x128xf32, #tpu.memory_space<hbm>>) dst(%dma_wait3A_215 : memref<128x128xf32, #tpu.memory_space<vmem>>)
    %dma_wait3A_222 = arith.constant 0 : i32
    %dma_wait3A_223 = arith.constant 48 : i32
    %dma_wait3A_224 = arith.constant 0 : i32
    %dma_wait3A_225 = arith.constant 0 : i32
    %dma_wait3A_226 = tpu.memref_slice %arg4[%add3A, %dma_wait3A_223, %dma_wait3A_224, %dma_wait3A_225] : memref<32x50x128x128xf32, #tpu.memory_space<hbm>> -> memref<1x1x128x128xf32, #tpu.memory_space<hbm>>
    %dma_wait3A_227 = tpu.memref_squeeze %dma_wait3A_226 : memref<1x1x128x128xf32, #tpu.memory_space<hbm>> -> memref<128x128xf32, #tpu.memory_space<hbm>>
    %dma_wait3A_228 = arith.constant 0 : i32
    %dma_wait3A_229 = arith.constant 0 : i32
    %dma_wait3A_230 = tpu.memref_slice %arg7[%arg1, %dma_wait3A_222, %dma_wait3A_228, %dma_wait3A_229] : memref<16x3x128x128xf32, #tpu.memory_space<vmem_shared>> -> memref<1x1x128x128xf32, #tpu.memory_space<vmem_shared>>
    %dma_wait3A_231 = tpu.memref_squeeze %dma_wait3A_230 : memref<1x1x128x128xf32, #tpu.memory_space<vmem_shared>> -> memref<128x128xf32, #tpu.memory_space<vmem_shared>>
    tpu.wait_dma2 semaphore(%arg14 : memref<!tpu.dma_semaphore, #tpu.memory_space<semaphore_mem>>) src(%dma_wait3A_231 : memref<128x128xf32, #tpu.memory_space<vmem_shared>>) dst(%dma_wait3A_227 : memref<128x128xf32, #tpu.memory_space<hbm>>)
    %dma_start3A_232 = arith.constant 0 : i32
    %dma_start3A_233 = arith.constant 0 : i32
    %dma_start3A_234 = arith.constant 0 : i32
    %dma_start3A_235 = arith.constant 0 : i32
    %dma_start3A_236 = tpu.memref_slice %arg6[%dma_start3A_232, %dma_start3A_234, %dma_start3A_235] : memref<3x128x128xf32, #tpu.memory_space<vmem>> -> memref<1x128x128xf32, #tpu.memory_space<vmem>>
    %dma_start3A_237 = tpu.memref_squeeze %dma_start3A_236 : memref<1x128x128xf32, #tpu.memory_space<vmem>> -> memref<128x128xf32, #tpu.memory_space<vmem>>
    %dma_start3A_238 = arith.constant 0 : i32
    %dma_start3A_239 = arith.constant 0 : i32
    %dma_start3A_240 = tpu.memref_slice %arg7[%arg1, %dma_start3A_233, %dma_start3A_238, %dma_start3A_239] : memref<16x3x128x128xf32, #tpu.memory_space<vmem_shared>> -> memref<1x1x128x128xf32, #tpu.memory_space<vmem_shared>>
    %dma_start3A_241 = tpu.memref_squeeze %dma_start3A_240 : memref<1x1x128x128xf32, #tpu.memory_space<vmem_shared>> -> memref<128x128xf32, #tpu.memory_space<vmem_shared>>
    %dma_start3A_242 = arith.constant 0 : i32
    %dma_start3A_243 = arith.constant 0 : i32
    %dma_start3A_244 = tpu.memref_slice %arg7[%arg1, %dma_start3A_233, %dma_start3A_242, %dma_start3A_243] : memref<16x3x128x128xf32, #tpu.memory_space<vmem_shared>> -> memref<1x1x128x128xf32, #tpu.memory_space<vmem_shared>>
    %dma_start3A_245 = tpu.memref_squeeze %dma_start3A_244 : memref<1x1x128x128xf32, #tpu.memory_space<vmem_shared>> -> memref<128x128xf32, #tpu.memory_space<vmem_shared>>
    %dma_start3A_246 = arith.constant 0 : i32
    %dma_start3A_247 = arith.constant 0 : i32
    %dma_start3A_248 = tpu.memref_slice %arg6[%dma_start3A_232, %dma_start3A_246, %dma_start3A_247] : memref<3x128x128xf32, #tpu.memory_space<vmem>> -> memref<1x128x128xf32, #tpu.memory_space<vmem>>
    %dma_start3A_249 = tpu.memref_squeeze %dma_start3A_248 : memref<1x128x128xf32, #tpu.memory_space<vmem>> -> memref<128x128xf32, #tpu.memory_space<vmem>>
    tpu.enqueue_dma source(%dma_start3A_249 : memref<128x128xf32, #tpu.memory_space<vmem>>) target(%dma_start3A_245 : memref<128x128xf32, #tpu.memory_space<vmem_shared>>) target_semaphore(%arg11 : memref<!tpu.dma_semaphore, #tpu.memory_space<semaphore_mem>>)
    %dma_wait3A_250 = arith.constant 2 : i32
    %dma_wait3A_251 = arith.constant 2 : i32
    %dma_wait3A_252 = arith.constant 0 : i32
    %dma_wait3A_253 = arith.constant 0 : i32
    %dma_wait3A_254 = tpu.memref_slice %arg6[%dma_wait3A_250, %dma_wait3A_252, %dma_wait3A_253] : memref<3x128x128xf32, #tpu.memory_space<vmem>> -> memref<1x128x128xf32, #tpu.memory_space<vmem>>
    %dma_wait3A_255 = tpu.memref_squeeze %dma_wait3A_254 : memref<1x128x128xf32, #tpu.memory_space<vmem>> -> memref<128x128xf32, #tpu.memory_space<vmem>>
    %dma_wait3A_256 = arith.constant 0 : i32
    %dma_wait3A_257 = arith.constant 0 : i32
    %dma_wait3A_258 = tpu.memref_slice %arg7[%arg1, %dma_wait3A_251, %dma_wait3A_256, %dma_wait3A_257] : memref<16x3x128x128xf32, #tpu.memory_space<vmem_shared>> -> memref<1x1x128x128xf32, #tpu.memory_space<vmem_shared>>
    %dma_wait3A_259 = tpu.memref_squeeze %dma_wait3A_258 : memref<1x1x128x128xf32, #tpu.memory_space<vmem_shared>> -> memref<128x128xf32, #tpu.memory_space<vmem_shared>>
    %dma_wait3A_260 = arith.constant 0 : i32
    %dma_wait3A_261 = arith.constant 0 : i32
    %dma_wait3A_262 = tpu.memref_slice %arg7[%arg1, %dma_wait3A_251, %dma_wait3A_260, %dma_wait3A_261] : memref<16x3x128x128xf32, #tpu.memory_space<vmem_shared>> -> memref<1x1x128x128xf32, #tpu.memory_space<vmem_shared>>
    %dma_wait3A_263 = tpu.memref_squeeze %dma_wait3A_262 : memref<1x1x128x128xf32, #tpu.memory_space<vmem_shared>> -> memref<128x128xf32, #tpu.memory_space<vmem_shared>>
    %dma_wait3A_264 = arith.constant 0 : i32
    %dma_wait3A_265 = arith.constant 0 : i32
    %dma_wait3A_266 = tpu.memref_slice %arg6[%dma_wait3A_250, %dma_wait3A_264, %dma_wait3A_265] : memref<3x128x128xf32, #tpu.memory_space<vmem>> -> memref<1x128x128xf32, #tpu.memory_space<vmem>>
    %dma_wait3A_267 = tpu.memref_squeeze %dma_wait3A_266 : memref<1x128x128xf32, #tpu.memory_space<vmem>> -> memref<128x128xf32, #tpu.memory_space<vmem>>
    tpu.wait_dma2 semaphore(%arg13 : memref<!tpu.dma_semaphore, #tpu.memory_space<semaphore_mem>>) src(%dma_wait3A_267 : memref<128x128xf32, #tpu.memory_space<vmem>>) dst(%dma_wait3A_263 : memref<128x128xf32, #tpu.memory_space<vmem_shared>>)
    %dma_start3A_268 = arith.constant 2 : i32
    %dma_start3A_269 = arith.constant 47 : i32
    %dma_start3A_270 = arith.constant 0 : i32
    %dma_start3A_271 = arith.constant 0 : i32
    %dma_start3A_272 = tpu.memref_slice %arg4[%add3A, %dma_start3A_269, %dma_start3A_270, %dma_start3A_271] : memref<32x50x128x128xf32, #tpu.memory_space<hbm>> -> memref<1x1x128x128xf32, #tpu.memory_space<hbm>>
    %dma_start3A_273 = tpu.memref_squeeze %dma_start3A_272 : memref<1x1x128x128xf32, #tpu.memory_space<hbm>> -> memref<128x128xf32, #tpu.memory_space<hbm>>
    %dma_start3A_274 = arith.constant 0 : i32
    %dma_start3A_275 = arith.constant 0 : i32
    %dma_start3A_276 = tpu.memref_slice %arg7[%arg1, %dma_start3A_268, %dma_start3A_274, %dma_start3A_275] : memref<16x3x128x128xf32, #tpu.memory_space<vmem_shared>> -> memref<1x1x128x128xf32, #tpu.memory_space<vmem_shared>>
    %dma_start3A_277 = tpu.memref_squeeze %dma_start3A_276 : memref<1x1x128x128xf32, #tpu.memory_space<vmem_shared>> -> memref<128x128xf32, #tpu.memory_space<vmem_shared>>
    tpu.enqueue_dma source(%dma_start3A_277 : memref<128x128xf32, #tpu.memory_space<vmem_shared>>) target(%dma_start3A_273 : memref<128x128xf32, #tpu.memory_space<hbm>>) target_semaphore(%arg16 : memref<!tpu.dma_semaphore, #tpu.memory_space<semaphore_mem>>)
    %dma_wait3A_278 = arith.constant 49 : i32
    %dma_wait3A_279 = arith.constant 1 : i32
    %dma_wait3A_280 = arith.constant 0 : i32
    %dma_wait3A_281 = arith.constant 0 : i32
    %dma_wait3A_282 = tpu.memref_slice %arg6[%dma_wait3A_279, %dma_wait3A_280, %dma_wait3A_281] : memref<3x128x128xf32, #tpu.memory_space<vmem>> -> memref<1x128x128xf32, #tpu.memory_space<vmem>>
    %dma_wait3A_283 = tpu.memref_squeeze %dma_wait3A_282 : memref<1x128x128xf32, #tpu.memory_space<vmem>> -> memref<128x128xf32, #tpu.memory_space<vmem>>
    %dma_wait3A_284 = arith.constant 0 : i32
    %dma_wait3A_285 = tpu.memref_slice %arg5[%dma_wait3A_278, %dma_wait3A_284] : memref<50x128xi32, #tpu.memory_space<vmem>> -> memref<1x128xi32, #tpu.memory_space<vmem>>
    %dma_wait3A_286 = tpu.memref_squeeze %dma_wait3A_285 : memref<1x128xi32, #tpu.memory_space<vmem>> -> memref<128xi32, #tpu.memory_space<vmem>>
    %dma_wait3A_287 = arith.constant 0 : i32
    %dma_wait3A_288 = arith.constant 0 : i32
    %dma_wait3A_289 = tpu.memref_slice %arg3[%dma_wait3A_287, %dma_wait3A_288] : memref<100000x128xf32, #tpu.memory_space<hbm>> -> memref<100000x128xf32, #tpu.memory_space<hbm>>
    tpu.wait_indirect_dma semaphore(%arg9 : memref<!tpu.dma_semaphore, #tpu.memory_space<semaphore_mem>>) src(%dma_wait3A_289 : memref<100000x128xf32, #tpu.memory_space<hbm>>) dst(%dma_wait3A_283 : memref<128x128xf32, #tpu.memory_space<vmem>>)
    %dma_wait3A_290 = arith.constant 1 : i32
    %dma_wait3A_291 = arith.constant 49 : i32
    %dma_wait3A_292 = arith.constant 0 : i32
    %dma_wait3A_293 = arith.constant 0 : i32
    %dma_wait3A_294 = tpu.memref_slice %arg4[%add3A, %dma_wait3A_291, %dma_wait3A_292, %dma_wait3A_293] : memref<32x50x128x128xf32, #tpu.memory_space<hbm>> -> memref<1x1x128x128xf32, #tpu.memory_space<hbm>>
    %dma_wait3A_295 = tpu.memref_squeeze %dma_wait3A_294 : memref<1x1x128x128xf32, #tpu.memory_space<hbm>> -> memref<128x128xf32, #tpu.memory_space<hbm>>
    %dma_wait3A_296 = arith.constant 0 : i32
    %dma_wait3A_297 = arith.constant 0 : i32
    %dma_wait3A_298 = tpu.memref_slice %arg7[%arg1, %dma_wait3A_290, %dma_wait3A_296, %dma_wait3A_297] : memref<16x3x128x128xf32, #tpu.memory_space<vmem_shared>> -> memref<1x1x128x128xf32, #tpu.memory_space<vmem_shared>>
    %dma_wait3A_299 = tpu.memref_squeeze %dma_wait3A_298 : memref<1x1x128x128xf32, #tpu.memory_space<vmem_shared>> -> memref<128x128xf32, #tpu.memory_space<vmem_shared>>
    tpu.wait_dma2 semaphore(%arg15 : memref<!tpu.dma_semaphore, #tpu.memory_space<semaphore_mem>>) src(%dma_wait3A_299 : memref<128x128xf32, #tpu.memory_space<vmem_shared>>) dst(%dma_wait3A_295 : memref<128x128xf32, #tpu.memory_space<hbm>>)
    %dma_start3A_300 = arith.constant 1 : i32
    %dma_start3A_301 = arith.constant 1 : i32
    %dma_start3A_302 = arith.constant 0 : i32
    %dma_start3A_303 = arith.constant 0 : i32
    %dma_start3A_304 = tpu.memref_slice %arg6[%dma_start3A_300, %dma_start3A_302, %dma_start3A_303] : memref<3x128x128xf32, #tpu.memory_space<vmem>> -> memref<1x128x128xf32, #tpu.memory_space<vmem>>
    %dma_start3A_305 = tpu.memref_squeeze %dma_start3A_304 : memref<1x128x128xf32, #tpu.memory_space<vmem>> -> memref<128x128xf32, #tpu.memory_space<vmem>>
    %dma_start3A_306 = arith.constant 0 : i32
    %dma_start3A_307 = arith.constant 0 : i32
    %dma_start3A_308 = tpu.memref_slice %arg7[%arg1, %dma_start3A_301, %dma_start3A_306, %dma_start3A_307] : memref<16x3x128x128xf32, #tpu.memory_space<vmem_shared>> -> memref<1x1x128x128xf32, #tpu.memory_space<vmem_shared>>
    %dma_start3A_309 = tpu.memref_squeeze %dma_start3A_308 : memref<1x1x128x128xf32, #tpu.memory_space<vmem_shared>> -> memref<128x128xf32, #tpu.memory_space<vmem_shared>>
    %dma_start3A_310 = arith.constant 0 : i32
    %dma_start3A_311 = arith.constant 0 : i32
    %dma_start3A_312 = tpu.memref_slice %arg7[%arg1, %dma_start3A_301, %dma_start3A_310, %dma_start3A_311] : memref<16x3x128x128xf32, #tpu.memory_space<vmem_shared>> -> memref<1x1x128x128xf32, #tpu.memory_space<vmem_shared>>
    %dma_start3A_313 = tpu.memref_squeeze %dma_start3A_312 : memref<1x1x128x128xf32, #tpu.memory_space<vmem_shared>> -> memref<128x128xf32, #tpu.memory_space<vmem_shared>>
    %dma_start3A_314 = arith.constant 0 : i32
    %dma_start3A_315 = arith.constant 0 : i32
    %dma_start3A_316 = tpu.memref_slice %arg6[%dma_start3A_300, %dma_start3A_314, %dma_start3A_315] : memref<3x128x128xf32, #tpu.memory_space<vmem>> -> memref<1x128x128xf32, #tpu.memory_space<vmem>>
    %dma_start3A_317 = tpu.memref_squeeze %dma_start3A_316 : memref<1x128x128xf32, #tpu.memory_space<vmem>> -> memref<128x128xf32, #tpu.memory_space<vmem>>
    tpu.enqueue_dma source(%dma_start3A_317 : memref<128x128xf32, #tpu.memory_space<vmem>>) target(%dma_start3A_313 : memref<128x128xf32, #tpu.memory_space<vmem_shared>>) target_semaphore(%arg12 : memref<!tpu.dma_semaphore, #tpu.memory_space<semaphore_mem>>)
    %dma_wait3A_318 = arith.constant 0 : i32
    %dma_wait3A_319 = arith.constant 0 : i32
    %dma_wait3A_320 = arith.constant 0 : i32
    %dma_wait3A_321 = arith.constant 0 : i32
    %dma_wait3A_322 = tpu.memref_slice %arg6[%dma_wait3A_318, %dma_wait3A_320, %dma_wait3A_321] : memref<3x128x128xf32, #tpu.memory_space<vmem>> -> memref<1x128x128xf32, #tpu.memory_space<vmem>>
    %dma_wait3A_323 = tpu.memref_squeeze %dma_wait3A_322 : memref<1x128x128xf32, #tpu.memory_space<vmem>> -> memref<128x128xf32, #tpu.memory_space<vmem>>
    %dma_wait3A_324 = arith.constant 0 : i32
    %dma_wait3A_325 = arith.constant 0 : i32
    %dma_wait3A_326 = tpu.memref_slice %arg7[%arg1, %dma_wait3A_319, %dma_wait3A_324, %dma_wait3A_325] : memref<16x3x128x128xf32, #tpu.memory_space<vmem_shared>> -> memref<1x1x128x128xf32, #tpu.memory_space<vmem_shared>>
    %dma_wait3A_327 = tpu.memref_squeeze %dma_wait3A_326 : memref<1x1x128x128xf32, #tpu.memory_space<vmem_shared>> -> memref<128x128xf32, #tpu.memory_space<vmem_shared>>
    %dma_wait3A_328 = arith.constant 0 : i32
    %dma_wait3A_329 = arith.constant 0 : i32
    %dma_wait3A_330 = tpu.memref_slice %arg7[%arg1, %dma_wait3A_319, %dma_wait3A_328, %dma_wait3A_329] : memref<16x3x128x128xf32, #tpu.memory_space<vmem_shared>> -> memref<1x1x128x128xf32, #tpu.memory_space<vmem_shared>>
    %dma_wait3A_331 = tpu.memref_squeeze %dma_wait3A_330 : memref<1x1x128x128xf32, #tpu.memory_space<vmem_shared>> -> memref<128x128xf32, #tpu.memory_space<vmem_shared>>
    %dma_wait3A_332 = arith.constant 0 : i32
    %dma_wait3A_333 = arith.constant 0 : i32
    %dma_wait3A_334 = tpu.memref_slice %arg6[%dma_wait3A_318, %dma_wait3A_332, %dma_wait3A_333] : memref<3x128x128xf32, #tpu.memory_space<vmem>> -> memref<1x128x128xf32, #tpu.memory_space<vmem>>
    %dma_wait3A_335 = tpu.memref_squeeze %dma_wait3A_334 : memref<1x128x128xf32, #tpu.memory_space<vmem>> -> memref<128x128xf32, #tpu.memory_space<vmem>>
    tpu.wait_dma2 semaphore(%arg11 : memref<!tpu.dma_semaphore, #tpu.memory_space<semaphore_mem>>) src(%dma_wait3A_335 : memref<128x128xf32, #tpu.memory_space<vmem>>) dst(%dma_wait3A_331 : memref<128x128xf32, #tpu.memory_space<vmem_shared>>)
    %dma_start3A_336 = arith.constant 0 : i32
    %dma_start3A_337 = arith.constant 48 : i32
    %dma_start3A_338 = arith.constant 0 : i32
    %dma_start3A_339 = arith.constant 0 : i32
    %dma_start3A_340 = tpu.memref_slice %arg4[%add3A, %dma_start3A_337, %dma_start3A_338, %dma_start3A_339] : memref<32x50x128x128xf32, #tpu.memory_space<hbm>> -> memref<1x1x128x128xf32, #tpu.memory_space<hbm>>
    %dma_start3A_341 = tpu.memref_squeeze %dma_start3A_340 : memref<1x1x128x128xf32, #tpu.memory_space<hbm>> -> memref<128x128xf32, #tpu.memory_space<hbm>>
    %dma_start3A_342 = arith.constant 0 : i32
    %dma_start3A_343 = arith.constant 0 : i32
    %dma_start3A_344 = tpu.memref_slice %arg7[%arg1, %dma_start3A_336, %dma_start3A_342, %dma_start3A_343] : memref<16x3x128x128xf32, #tpu.memory_space<vmem_shared>> -> memref<1x1x128x128xf32, #tpu.memory_space<vmem_shared>>
    %dma_start3A_345 = tpu.memref_squeeze %dma_start3A_344 : memref<1x1x128x128xf32, #tpu.memory_space<vmem_shared>> -> memref<128x128xf32, #tpu.memory_space<vmem_shared>>
    tpu.enqueue_dma source(%dma_start3A_345 : memref<128x128xf32, #tpu.memory_space<vmem_shared>>) target(%dma_start3A_341 : memref<128x128xf32, #tpu.memory_space<hbm>>) target_semaphore(%arg14 : memref<!tpu.dma_semaphore, #tpu.memory_space<semaphore_mem>>)
    %dma_wait3A_346 = arith.constant 1 : i32
    %dma_wait3A_347 = arith.constant 1 : i32
    %dma_wait3A_348 = arith.constant 0 : i32
    %dma_wait3A_349 = arith.constant 0 : i32
    %dma_wait3A_350 = tpu.memref_slice %arg6[%dma_wait3A_346, %dma_wait3A_348, %dma_wait3A_349] : memref<3x128x128xf32, #tpu.memory_space<vmem>> -> memref<1x128x128xf32, #tpu.memory_space<vmem>>
    %dma_wait3A_351 = tpu.memref_squeeze %dma_wait3A_350 : memref<1x128x128xf32, #tpu.memory_space<vmem>> -> memref<128x128xf32, #tpu.memory_space<vmem>>
    %dma_wait3A_352 = arith.constant 0 : i32
    %dma_wait3A_353 = arith.constant 0 : i32
    %dma_wait3A_354 = tpu.memref_slice %arg7[%arg1, %dma_wait3A_347, %dma_wait3A_352, %dma_wait3A_353] : memref<16x3x128x128xf32, #tpu.memory_space<vmem_shared>> -> memref<1x1x128x128xf32, #tpu.memory_space<vmem_shared>>
    %dma_wait3A_355 = tpu.memref_squeeze %dma_wait3A_354 : memref<1x1x128x128xf32, #tpu.memory_space<vmem_shared>> -> memref<128x128xf32, #tpu.memory_space<vmem_shared>>
    %dma_wait3A_356 = arith.constant 0 : i32
    %dma_wait3A_357 = arith.constant 0 : i32
    %dma_wait3A_358 = tpu.memref_slice %arg7[%arg1, %dma_wait3A_347, %dma_wait3A_356, %dma_wait3A_357] : memref<16x3x128x128xf32, #tpu.memory_space<vmem_shared>> -> memref<1x1x128x128xf32, #tpu.memory_space<vmem_shared>>
    %dma_wait3A_359 = tpu.memref_squeeze %dma_wait3A_358 : memref<1x1x128x128xf32, #tpu.memory_space<vmem_shared>> -> memref<128x128xf32, #tpu.memory_space<vmem_shared>>
    %dma_wait3A_360 = arith.constant 0 : i32
    %dma_wait3A_361 = arith.constant 0 : i32
    %dma_wait3A_362 = tpu.memref_slice %arg6[%dma_wait3A_346, %dma_wait3A_360, %dma_wait3A_361] : memref<3x128x128xf32, #tpu.memory_space<vmem>> -> memref<1x128x128xf32, #tpu.memory_space<vmem>>
    %dma_wait3A_363 = tpu.memref_squeeze %dma_wait3A_362 : memref<1x128x128xf32, #tpu.memory_space<vmem>> -> memref<128x128xf32, #tpu.memory_space<vmem>>
    tpu.wait_dma2 semaphore(%arg12 : memref<!tpu.dma_semaphore, #tpu.memory_space<semaphore_mem>>) src(%dma_wait3A_363 : memref<128x128xf32, #tpu.memory_space<vmem>>) dst(%dma_wait3A_359 : memref<128x128xf32, #tpu.memory_space<vmem_shared>>)
    %dma_start3A_364 = arith.constant 1 : i32
    %dma_start3A_365 = arith.constant 49 : i32
    %dma_start3A_366 = arith.constant 0 : i32
    %dma_start3A_367 = arith.constant 0 : i32
    %dma_start3A_368 = tpu.memref_slice %arg4[%add3A, %dma_start3A_365, %dma_start3A_366, %dma_start3A_367] : memref<32x50x128x128xf32, #tpu.memory_space<hbm>> -> memref<1x1x128x128xf32, #tpu.memory_space<hbm>>
    %dma_start3A_369 = tpu.memref_squeeze %dma_start3A_368 : memref<1x1x128x128xf32, #tpu.memory_space<hbm>> -> memref<128x128xf32, #tpu.memory_space<hbm>>
    %dma_start3A_370 = arith.constant 0 : i32
    %dma_start3A_371 = arith.constant 0 : i32
    %dma_start3A_372 = tpu.memref_slice %arg7[%arg1, %dma_start3A_364, %dma_start3A_370, %dma_start3A_371] : memref<16x3x128x128xf32, #tpu.memory_space<vmem_shared>> -> memref<1x1x128x128xf32, #tpu.memory_space<vmem_shared>>
    %dma_start3A_373 = tpu.memref_squeeze %dma_start3A_372 : memref<1x1x128x128xf32, #tpu.memory_space<vmem_shared>> -> memref<128x128xf32, #tpu.memory_space<vmem_shared>>
    tpu.enqueue_dma source(%dma_start3A_373 : memref<128x128xf32, #tpu.memory_space<vmem_shared>>) target(%dma_start3A_369 : memref<128x128xf32, #tpu.memory_space<hbm>>) target_semaphore(%arg15 : memref<!tpu.dma_semaphore, #tpu.memory_space<semaphore_mem>>)
    %dma_wait3A_374 = arith.constant 2 : i32
    %dma_wait3A_375 = arith.constant 47 : i32
    %dma_wait3A_376 = arith.constant 0 : i32
    %dma_wait3A_377 = arith.constant 0 : i32
    %dma_wait3A_378 = tpu.memref_slice %arg4[%add3A, %dma_wait3A_375, %dma_wait3A_376, %dma_wait3A_377] : memref<32x50x128x128xf32, #tpu.memory_space<hbm>> -> memref<1x1x128x128xf32, #tpu.memory_space<hbm>>
    %dma_wait3A_379 = tpu.memref_squeeze %dma_wait3A_378 : memref<1x1x128x128xf32, #tpu.memory_space<hbm>> -> memref<128x128xf32, #tpu.memory_space<hbm>>
    %dma_wait3A_380 = arith.constant 0 : i32
    %dma_wait3A_381 = arith.constant 0 : i32
    %dma_wait3A_382 = tpu.memref_slice %arg7[%arg1, %dma_wait3A_374, %dma_wait3A_380, %dma_wait3A_381] : memref<16x3x128x128xf32, #tpu.memory_space<vmem_shared>> -> memref<1x1x128x128xf32, #tpu.memory_space<vmem_shared>>
    %dma_wait3A_383 = tpu.memref_squeeze %dma_wait3A_382 : memref<1x1x128x128xf32, #tpu.memory_space<vmem_shared>> -> memref<128x128xf32, #tpu.memory_space<vmem_shared>>
    tpu.wait_dma2 semaphore(%arg16 : memref<!tpu.dma_semaphore, #tpu.memory_space<semaphore_mem>>) src(%dma_wait3A_383 : memref<128x128xf32, #tpu.memory_space<vmem_shared>>) dst(%dma_wait3A_379 : memref<128x128xf32, #tpu.memory_space<hbm>>)
    %dma_wait3A_384 = arith.constant 0 : i32
    %dma_wait3A_385 = arith.constant 48 : i32
    %dma_wait3A_386 = arith.constant 0 : i32
    %dma_wait3A_387 = arith.constant 0 : i32
    %dma_wait3A_388 = tpu.memref_slice %arg4[%add3A, %dma_wait3A_385, %dma_wait3A_386, %dma_wait3A_387] : memref<32x50x128x128xf32, #tpu.memory_space<hbm>> -> memref<1x1x128x128xf32, #tpu.memory_space<hbm>>
    %dma_wait3A_389 = tpu.memref_squeeze %dma_wait3A_388 : memref<1x1x128x128xf32, #tpu.memory_space<hbm>> -> memref<128x128xf32, #tpu.memory_space<hbm>>
    %dma_wait3A_390 = arith.constant 0 : i32
    %dma_wait3A_391 = arith.constant 0 : i32
    %dma_wait3A_392 = tpu.memref_slice %arg7[%arg1, %dma_wait3A_384, %dma_wait3A_390, %dma_wait3A_391] : memref<16x3x128x128xf32, #tpu.memory_space<vmem_shared>> -> memref<1x1x128x128xf32, #tpu.memory_space<vmem_shared>>
    %dma_wait3A_393 = tpu.memref_squeeze %dma_wait3A_392 : memref<1x1x128x128xf32, #tpu.memory_space<vmem_shared>> -> memref<128x128xf32, #tpu.memory_space<vmem_shared>>
    tpu.wait_dma2 semaphore(%arg14 : memref<!tpu.dma_semaphore, #tpu.memory_space<semaphore_mem>>) src(%dma_wait3A_393 : memref<128x128xf32, #tpu.memory_space<vmem_shared>>) dst(%dma_wait3A_389 : memref<128x128xf32, #tpu.memory_space<hbm>>)
    %dma_wait3A_394 = arith.constant 1 : i32
    %dma_wait3A_395 = arith.constant 49 : i32
    %dma_wait3A_396 = arith.constant 0 : i32
    %dma_wait3A_397 = arith.constant 0 : i32
    %dma_wait3A_398 = tpu.memref_slice %arg4[%add3A, %dma_wait3A_395, %dma_wait3A_396, %dma_wait3A_397] : memref<32x50x128x128xf32, #tpu.memory_space<hbm>> -> memref<1x1x128x128xf32, #tpu.memory_space<hbm>>
    %dma_wait3A_399 = tpu.memref_squeeze %dma_wait3A_398 : memref<1x1x128x128xf32, #tpu.memory_space<hbm>> -> memref<128x128xf32, #tpu.memory_space<hbm>>
    %dma_wait3A_400 = arith.constant 0 : i32
    %dma_wait3A_401 = arith.constant 0 : i32
    %dma_wait3A_402 = tpu.memref_slice %arg7[%arg1, %dma_wait3A_394, %dma_wait3A_400, %dma_wait3A_401] : memref<16x3x128x128xf32, #tpu.memory_space<vmem_shared>> -> memref<1x1x128x128xf32, #tpu.memory_space<vmem_shared>>
    %dma_wait3A_403 = tpu.memref_squeeze %dma_wait3A_402 : memref<1x1x128x128xf32, #tpu.memory_space<vmem_shared>> -> memref<128x128xf32, #tpu.memory_space<vmem_shared>>
    tpu.wait_dma2 semaphore(%arg15 : memref<!tpu.dma_semaphore, #tpu.memory_space<semaphore_mem>>) src(%dma_wait3A_403 : memref<128x128xf32, #tpu.memory_space<vmem_shared>>) dst(%dma_wait3A_399 : memref<128x128xf32, #tpu.memory_space<hbm>>)
    return
  }
}

</mosaic_0001>

<sc_bundles>
// kernel: kernel.3.cloned.1.call-start
scs
__scs_entry_jumppad:
0x0: {  	(pc) =	sbr.rel $0x88, $3  }
0x1: {  	(tag) =	ssettag $0x0;
	lr =	simm.s32 $0x1  }
0x2: {  	[smem:$0x3F9F] =	sst lr;
	_ =	strace $0xD0000000  }
0x3: {  	_ = 	snop  }
0x4: {  	_ = 	snop  }
0x5: {  	_ = 	snop  }
0x6: {  	_ = 	snop  }
0x7: {  	_ = 	snop  }
__scs_overlays_trampoline_lowered:
0x8: {  	[smem:$0x3FAE] =	sst s0  }
0x9: {  	[smem:$0x3FAF] =	sst s1  }
0xa: {  	[smem:$0x3FB0] =	sst s2  }
0xb: {  	[smem:$0x3FB1] =	sst s3  }
0xc: {  	[smem:$0x3FB2] =	sst s4  }
0xd: {  	[smem:$0x3FB3] =	sst s5  }
0xe: {  	[smem:$0x3FB4] =	sst s6  }
0xf: {  	[smem:$0x3FB5] =	sst s7  }
0x10: {  	[smem:$0x3FB6] =	sst s8  }
0x11: {  	[smem:$0x3FB7] =	sst s9;
	s0 =	simm.s32 @!p0 $0x0  }
0x12: {  	s1 =	sld [smem:$0x3F9D];
	s0 =	simm.s32 @p0 $0x1  }
0x13: {  	[smem:$0x3FB8] =	sst s0;
	s0 =	simm.s32 @!p1 $0x0  }
0x14: {  	s2 =	sld [smem:$0x3F9C];
	s0 =	simm.s32 @p1 $0x1  }
0x15: {  	[smem:$0x3FB9] =	sst s0;
	s0 =	simm.s32 @!p2 $0x0  }
0x16: {  	s3 =	sld [smem:$0x3FDB];
	s0 =	simm.s32 @p2 $0x1  }
0x17: {  	s4 =	simm.s32 $0x1BF5;
	[smem:$0x3FBB] =	sst s0  }
0x18: {  	s0 =	sld [smem:$0x3F9E];
	_ =	swait.ge [sflag:s4], $0x0  }
0x19: {  	s7 =	sld [smem:$0x3F9F]  }
0x1a: {  	s8 =	sadd.s32 $0xFFFFE003, lr  }
0x1b: {  	s9 =	sadd.s32 $0xFFFFFEF7, lr;
	s5 =	simm.s32 $0xFFFFFFFF;
	p2 =	slt.u32 s8, $0xFFFFF086  }
0x1c: {  	p1 =	slt.u32 s9, $0xF7A;
	s5 =	simm.s32 @!p2 $0x0  }
0x1d: {  	s5 =	simm.s32 @p1 $0x1;
	p0 =	seq.s32 s7, s2  }
0x1e: {  	s7 =	smul.u32 @!p0 $0xF7A, s2;
	p2 =	seq.s32 @!p0 s5, $0x0  }
0x1f: {  	s9 =	smul.u32 $0xF7A, s1;
	s8 =	simm.s32 @!p0 $0x1BF5;
	p2 =	por !p2, p0  }
0x20: {  	[sflag:s8] =	ssyncset.s32 @!p0 $0xFFFFF086;
	s6 =	sadd.s32 @!p0 s3, s7;
	s7 =	simm.s32 @!p0 $0x108  }
0x21: {  	s3 =	sadd.s32 s3, s9;
	s6 =	sadd.s32 @!p0 $0x88, s6;
	s7 =	simm.s32 @p2 $0x1082  }
0x22: {  	[simem:s7], [sflag:s8] =	dma.local @!p0 [hbm:s6], $0xF7A  }
0x23: {  	s9 =	sor.u32 $0xD0000000, s2;
	s6 =	simm.s32 $0x108;
	_ =	swait.ge @!p0 [sflag:s8], $0x0  }
0x24: {  	s3 =	sadd.s32 $0x88, s3;
	s6 =	simm.s32 @!p1 $0x1082;
	[sflag:s4] =	ssyncset.s32 $0xFFFFF086  }
0x25: {  	[simem:s6], [sflag:s4] =	dma.local [hbm:s3], $0xF7A  }
0x26: {  	[smem:$0x3F9F] =	sst s1;
	(tag) =	ssettag s2;
	_ =	strace s9  }
0x27: {  	s1 =	sld [smem:$0x3FAF]  }
0x28: {  	s2 =	sld [smem:$0x3FB0]  }
0x29: {  	s4 =	sld [smem:$0x3FB2]  }
0x2a: {  	p0 =	seq.s32 s5, $0x0;
	s5 =	sld [smem:$0x3FB3]  }
0x2b: {  	s6 =	sld [smem:$0x3FB4]  }
0x2c: {  	s7 =	sld [smem:$0x3FB5]  }
0x2d: {  	s3 =	simm.s32 $0x108;
	s8 =	sld [smem:$0x3FB6]  }
0x2e: {  	s3 =	simm.s32 @!p0 $0x1082;
	s9 =	sld [smem:$0x3FB7]  }
0x2f: {  	lr =	sadd.s32 s0, s3;
	s0 =	sld [smem:$0x3FAE]  }
0x30: {  	s3 =	sld [smem:$0x3FB1]  }
0x31: {  	[smem:$0x3FBA] =	sst s10  }
0x32: {  	s10 =	sld [smem:$0x3FB8];
	_ =	sdelay $0x3  }
0x33: {  	p0 =	seq.s32 s10, $0x1;
	s10 =	sld [smem:$0x3FBA];
	_ =	sdelay $0x3  }
0x34: {  	[smem:$0x3FBA] =	sst s10  }
0x35: {  	s10 =	sld [smem:$0x3FB9];
	_ =	sdelay $0x3  }
0x36: {  	p1 =	seq.s32 s10, $0x1;
	s10 =	sld [smem:$0x3FBA];
	_ =	sdelay $0x3  }
0x37: {  	[smem:$0x3FBA] =	sst s10  }
0x38: {  	s10 =	sld [smem:$0x3FBB]  }
0x39: {  	_ = 	snop;
	(pc) =	sbr.ind lr, $3  }
0x3a: {  	_ = 	snop  }
0x3b: {  	_ = 	snop  }
0x3c: {  	p2 =	seq.s32 s10, $0x1;
	s10 =	sld [smem:$0x3FBA]  }
0x3d: {  	_ =	shalt  }
0x3e: {  	_ =	shalt  }
0x3f: {  	_ =	shalt  }
0x40: {  	_ =	shalt  }
0x41: {  	_ =	shalt  }
0x42: {  	_ =	shalt  }
0x43: {  	_ =	shalt  }
0x44: {  	_ =	shalt  }
0x45: {  	_ =	shalt  }
0x46: {  	_ =	shalt  }
0x47: {  	_ =	shalt  }
0x48: {  	_ =	shalt  }
0x49: {  	_ =	shalt  }
0x4a: {  	_ =	shalt  }
0x4b: {  	_ =	shalt  }
0x4c: {  	_ =	shalt  }
0x4d: {  	_ =	shalt  }
0x4e: {  	_ =	shalt  }
0x4f: {  	_ =	shalt  }
0x50: {  	_ =	shalt  }
0x51: {  	_ =	shalt  }
0x52: {  	_ =	shalt  }
0x53: {  	_ =	shalt  }
0x54: {  	_ =	shalt  }
0x55: {  	_ =	shalt  }
0x56: {  	_ =	shalt  }
0x57: {  	_ =	shalt  }
0x58: {  	_ =	shalt  }
0x59: {  	_ =	shalt  }
0x5a: {  	_ =	shalt  }
0x5b: {  	_ =	shalt  }
0x5c: {  	_ =	shalt  }
0x5d: {  	_ =	shalt  }
0x5e: {  	_ =	shalt  }
0x5f: {  	_ =	shalt  }
0x60: {  	_ =	shalt  }
0x61: {  	_ =	shalt  }
0x62: {  	_ =	shalt  }
0x63: {  	_ =	shalt  }
0x64: {  	_ =	shalt  }
0x65: {  	_ =	shalt  }
0x66: {  	_ =	shalt  }
0x67: {  	_ =	shalt  }
0x68: {  	_ =	shalt  }
0x69: {  	_ =	shalt  }
0x6a: {  	_ =	shalt  }
0x6b: {  	_ =	shalt  }
0x6c: {  	_ =	shalt  }
0x6d: {  	_ =	shalt  }
0x6e: {  	_ =	shalt  }
0x6f: {  	_ =	shalt  }
0x70: {  	_ =	shalt  }
0x71: {  	_ =	shalt  }
0x72: {  	_ =	shalt  }
0x73: {  	_ =	shalt  }
0x74: {  	_ =	shalt  }
0x75: {  	_ =	shalt  }
0x76: {  	_ =	shalt  }
0x77: {  	_ =	shalt  }
0x78: {  	_ =	shalt  }
0x79: {  	_ =	shalt  }
0x7a: {  	_ =	shalt  }
0x7b: {  	_ =	shalt  }
0x7c: {  	_ =	shalt  }
0x7d: {  	_ =	shalt  }
0x7e: {  	_ =	shalt  }
0x7f: {  	_ =	shalt  }
0x80: {  	_ =	shalt  }
0x81: {  	_ =	shalt  }
0x82: {  	_ =	shalt  }
0x83: {  	_ =	shalt  }
0x84: {  	_ =	shalt  }
0x85: {  	_ =	shalt  }
0x86: {  	_ =	shalt  }
0x87: {  	_ =	shalt  }
.Lfunc_end0:
.L_simem_size_0:
called_computation_lowered:
.L_overlay_start_0:
0x88: {  	s2 =	sld [smem:$0x3FD9]  }
0x89: {  	s3 =	sld [smem:$0x3FFE];
	_ =	sdelay $0x1  }
0x8a: {  	s1 =	srdreg.scid  }
0x8b: {  	s0 =	sand.u32 $0x1, s1  }
0x8c: {  	s17 =	sshll.u32 s0, $0xA;
	s2 =	sadd.s32 s3, s2  }
0x8d: {  	s2 =	sadd.s32 s2, s17  }
0x8e: {  	[smem:$0x3FC6] =	sst s2  }
0x8f: {  	_ = 	snop  }
0x90: {  	s2 =	sld [smem:$0x3FC8]  }
0x91: {  	s18 =	sld [smem:$0x3FD0];
	(tm) =	ssettm $0x1  }
0x92: {  	s4 =	sld [smem:$0x3FFB];
	_ =	sdelay $0x3  }
0x93: {  	_ =	strace s4  }
0x94: {  	s4 =	sld [smem:$0x3FFC];
	_ =	sdelay $0x3  }
0x95: {  	_ =	strace s4  }
0x96: {  	s4 =	sld [smem:$0x3FFD];
	_ =	sdelay $0x3  }
0x97: {  	_ =	strace s4  }
0x98: {  	_ =	strace $0x8FFFFFFF  }
0x99: {  	s19 =	sld [smem:$0x3FDB];
	_ =	sdelay $0x1  }
0x9a: {  	s5 =	simm.s32 $_scs_section_size  }
0x9b: {  	s6 =	simm.s32 $_size__tile_overlayer_lowered;
	s7 =	simm.s32 $_tile_overlayer_lowered  }
0x9c: {  	s22 =	simm.s32 $0x1BFF;
	s21 =	sshll.u32 s7, $0x1;
	s4 =	sadd.s32 s5, s19  }
0x9d: {  	s8 =	simm.s32 $0x0;
	s20 =	sshll.u32 s6, $0x1;
	s6 =	sadd.s32 s21, s4  }
0x9e: {  	[timem:s8], [sflag:s22] =	dma.local [hbm:s6], s20  }
0x9f: {  	_ =	swait.ge [sflag:s22], s20  }
0xa0: {  	s5 =	ssub.s32 $0x0, s20;
	[sflag:s22] =	ssyncset.done $0x0  }
0xa1: {  	[sflag:s22] =	ssyncadd.s32 s5;
	_ =	sdelay $0x1  }
0xa2: {  	s23 =	simm.s32 $0x1B8B  }
0xa3: {  	_ =	swait.ge [sflag:s23], $0x1  }
0xa4: {  	[sflag:s23] =	ssyncset.done $0x0  }
0xa5: {  	s25 =	simm.s32 $0x1B8E;
	s24 =	sld [smem:$0x3FFE];
	[sflag:s23] =	ssyncadd.s32 $0xFFFFFFFF  }
0xa6: {  	s26 =	simm.s32 $execute0_lowered;
	[smem:$0x3FD2] =	sst s25  }
0xa7: {  	s6 =	sshll.u32 s26, $0x1;
	_ =	strace $0x80000046;
	[dreg:$0x1] =	wrdreg $0xFFFFFFFF  }
0xa8: {  	s28 =	simm.s32 $_size_execute0_lowered;
	s4 =	sadd.s32 s4, s6;
	[dreg:$0x0] =	wrdreg $0x0  }
0xa9: {  	s6 =	sshll.u32 s28, $0x1;
	[dreg:$0x2] =	wrdreg s4  }
0xaa: {  	[dreg:$0x3] =	wrdreg s6  }
0xab: {  	[dreg:$0x4] =	wrdreg $0xC0  }
0xac: {  	_ =	task [dreg:s8], $0x5FFFF  }
0xad: {  	[dreg:$0x1] =	wrdreg $0xFFFFFFFF  }
0xae: {  	[dreg:$0x0] =	wrdreg $0x60  }
0xaf: {  	[dreg:$0x2] =	wrdreg s24  }
0xb0: {  	[dreg:$0x3] =	wrdreg s2  }
0xb1: {  	[dreg:$0x4] =	wrdreg s18  }
0xb2: {  	[dreg:$0x5] =	wrdreg $0xDC000  }
0xb3: {  	[dreg:$0x6] =	wrdreg $0x9  }
0xb4: {  	_ =	task.clear_ibuf [dreg:s8], $0x7FFFF;
	_ =	strace $0x90000046  }
0xb5: {  	s29 =	simm.s32 $0x9;
	_ =	strace $0x80000048  }
0xb6: {  	_ =	swait.ge [sflag:s29], $0x1  }
0xb7: {  	[sflag:s29] =	ssyncadd.s32 $0xFFFFFFFF  }
0xb8: {  	_ =	strace $0x90000048  }
0xb9: {  	_ =	sfence  }
0xba: {  	s30 =	sld [smem:$0x0];
	_ =	sdelay $0x2  }
0xbb: {  	s31 =	sshll.u32 s1, $0xD;
	s1 =	sshrl.u32 s1, $0x2  }
0xbc: {  	s3 =	sand.u32 $0x4000, s31;
	s1 =	sadd.s32 s1, s30  }
0xbd: {  	s0 =	sor.u32 s3, s0;
	s1 =	sshll.u32 s1, $0x11  }
0xbe: {  	s0 =	sor.u32 s1, s0  }
0xbf: {  	s0 =	sadd.s32 $0x8F2B, s0  }
0xc0: {  	[sflag:s0] =	ssyncadd.remote.s32 $0x1  }
0xc1: {  	_ =	sfence.sel $0xFFFF  }
0xc2: {  	[dreg:$0x0] =	wrdreg $0xFFFFFFFF;
	(pc) =	sbr.abs _section_cstart, $3  }
0xc3: {  	[dreg:$0x1] =	wrdreg $0xFFFFFFFF  }
0xc4: {  	_ =	task.clear_ibuf [dreg:s8], $0x2FFFF;
	_ =	strace $0x9FFFFFFF  }
0xc5: {  	(tm) =	ssettm $0x7FFFFFFF  }
tec
execute0_lowered:
.L_overlay_start_1:
0x0: {  	(tag) =	ssettag $0x1  }
0x1: {  	s0 =	rddreg [dreg:$0x0]  }
0x2: {  	s1 =	rddreg [dreg:$0x1]  }
0x3: {  	s2 =	srdreg.scid;
	s14 =	rddreg [dreg:$0x2]  }
0x4: {  	s3 =	stileid.u32;
	s5 =	rddreg [dreg:$0x3];
	s7 =	simm.s32 $0x0  }
0x5: {  	s29 =	simm.s32 $0x3;
	s30 =	simm.s32 $0x5;
	s28 =	simm.s32 $0x9  }
0x6: {  	s2 =	sand.u32 $0x1, s2;
	s4 =	sshll.u32 s3, $0x1;
	s8 =	smul.u32 $0x30000, s3  }
0x7: {  	[smem:$0x7FF] =	sst s7;
	s10 =	smul.u32 $0x190000, s3;
	s4 =	sor.u32 s2, s4  }
0x8: {  	s12 =	ssub.s32 $0x2, s2;
	_ =	strace $0x80000047;
	s15 =	sshrl.u32 s8, $0x2  }
0x9: {  	s6 =	smul.u32 $0x380, s4;
	s13 =	sshrl.u32 s12, $0x1;
	s16 =	sadd.s32 s15, s5  }
0xa: {  	s4 =	smul.u32 $0xC8000, s4;
	s7 =	ssub.s32 s12, s13;
	s18 =	sadd.s32 $0x4000, s16  }
0xb: {  	s0 =	sadd.s32 s6, s0;
	s25 =	smax.u32 s7, $0x1;
	[dreg:$0x5] =	wrdreg s18  }
0xc: {  	s4 =	sshrl.u32 s4, $0x3;
	s0 =	sadd.s32 $0x400, s0;
	[dreg:$0xc] =	wrdreg s25  }
0xd: {  	s17 =	smul.u32 $0xC8000, s2;
	s4 =	sadd.s32 s14, s4;
	[dreg:$0x6] =	wrdreg s0  }
0xe: {  	s8 =	smov.u32 s16;
	s19 =	sadd.s32 $0x800, s4;
	[dreg:$0x7] =	wrdreg s4  }
0xf: {  	s31 =	sadd.s32 $0x8000, s16;
	s20 =	sadd.s32 $0x18000, s4;
	[dreg:$0x8] =	wrdreg s19  }
0x10: {  	s25 =	simm.s32 $0x2;
	s21 =	sadd.s32 $0x17800, s4;
	[dreg:$0x9] =	wrdreg s20  }
0x11: {  	s0 =	sadd.s32 s17, s10;
	s22 =	sadd.s32 $0x18800, s4;
	[dreg:$0xa] =	wrdreg s21  }
0x12: {  	[dreg:$0xb] =	wrdreg s22;
	s23 =	sadd.s32 $0x10000, s0;
	s24 =	sadd.s32 $0x8000, s0  }
0x13: {  	s0 =	sadd.s32 $0xC000, s0;
	s19 =	simm.s32 $0x80;
	s20 =	simm.s32 $0x1C00  }
0x14: {  	s21 =	simm.s32 $0x5C00;
	s22 =	simm.s32 $0x1;
	s2 =	sshrl.u32 s23, $0x3  }
0x15: {  	s4 =	sshrl.u32 s24, $0x3;
	[dreg:$0xf] =	wrdreg s0;
	s24 =	simm.s32 $0x9C00  }
0x16: {  	s0 =	simm.s32 $0x6;
	s23 =	simm.s32 $0x8;
	s2 =	sadd.s32 s2, s14  }
0x17: {  	s26 =	sadd.s32 s4, s14;
	s4 =	simm.s32 $0x0;
	[dreg:$0xd] =	wrdreg s2  }
0x18: {  	[dreg:$0xe] =	wrdreg s26;
	s26 =	simm.s32 $0x4;
	s2 =	simm.s32 $0x7  }
.LBB2_1:
0x19: {  	[dreg:$0x10] =	wrdreg s4  }
0x1a: {  	s3 =	simm.s32 $0x0;
	s5 =	rddreg [dreg:$0x6];
	s6 =	simm.s32 $0xA  }
0x1b: {  	[tilespmem:s3], [sflag:$0xA] =	stream.linear.gather [hbm4b:s5+s3], $0x1900, $0x38;
	[tilespmem:$0x19C00] =	vst v63  }
0x1c: {  	_ =	swait.ge [sflag:s6], $0x1900  }
0x1d: {  	[sflag:s6] =	ssyncset.done $0x0  }
0x1e: {  	[sflag:s6] =	ssyncadd.s32 $0xFFFFE700  }
0x1f: {  	[tilespmem:s20], [sflag:$0x1] =	stream.indirect.gather [hbm4b:s1+s19], $0x80, s3, s19, $0xb8;
	[tilespmem:$0x19C00] =	vst v63  }
0x20: {  	_ = 	snop  }
0x21: {  	[tilespmem:s21], [sflag:$0x2] =	stream.indirect.gather [hbm4b:s1+s19], $0x80, s19, s19, $0xb8;
	[tilespmem:$0x19C00] =	vst v63  }
0x22: {  	_ =	swait.ge [sflag:s22], $0x4000  }
0x23: {  	[sflag:s22] =	ssyncset.done $0x0  }
0x24: {  	[sflag:s22] =	ssyncadd.s32 $0xFFFFC000  }
0x25: {  	[spmem:s8] =	stream.linear.scatter [tilespmem:s20], [sflag:$0x4], $0x4000, $0x38;
	[tilespmem:$0x19C00] =	vst v63  }
0x26: {  	s7 =	simm.s32 $0x100  }
0x27: {  	[tilespmem:s24], [sflag:$0x3] =	stream.indirect.gather [hbm4b:s1+s19], $0x80, s7, s19, $0xb8;
	[tilespmem:$0x19C00] =	vst v63  }
0x28: {  	_ =	swait.ge [sflag:s25], $0x4000  }
0x29: {  	[sflag:s25] =	ssyncset.done $0x0  }
0x2a: {  	s15 =	rddreg [dreg:$0x5];
	[sflag:s25] =	ssyncadd.s32 $0xFFFFC000  }
0x2b: {  	[spmem:s15] =	stream.linear.scatter [tilespmem:s21], [sflag:$0x5], $0x4000, $0x38;
	[tilespmem:$0x19C00] =	vst v63  }
0x2c: {  	s9 =	stileid.u32;
	s11 =	simm.s32 $0x180;
	_ =	swait.ge [sflag:s26], $0x4000  }
0x2d: {  	s5 =	sshrl.u32 s8, $0x3;
	s7 =	sshll.u32 s9, $0x6;
	[sflag:s26] =	ssyncset.done $0x0  }
0x2e: {  	s4 =	sor.u32 $0x1C07, s7;
	s10 =	rddreg [dreg:$0x7];
	[sflag:s26] =	ssyncadd.s32 $0xFFFFC000  }
0x2f: {  	[hbm:s10], [sflag:s4] =	dma.local [spmem:s5], $0x800  }
0x30: {  	[tilespmem:s20], [sflag:$0x1] =	stream.indirect.gather [hbm4b:s1+s19], $0x80, s11, s19, $0xb8;
	[tilespmem:$0x19C00] =	vst v63  }
0x31: {  	_ =	swait.ge [sflag:s29], $0x4000  }
0x32: {  	[sflag:s29] =	ssyncset.done $0x0  }
0x33: {  	[sflag:s29] =	ssyncadd.s32 $0xFFFFC000  }
0x34: {  	[spmem:s31] =	stream.linear.scatter [tilespmem:s24], [sflag:$0x6], $0x4000, $0x38;
	[tilespmem:$0x19C00] =	vst v63  }
0x35: {  	_ =	swait.ge [sflag:s30], $0x4000  }
0x36: {  	s13 =	simm.s32 $0x200;
	s10 =	sor.u32 $0x1C08, s7;
	[sflag:s30] =	ssyncset.done $0x0  }
0x37: {  	s11 =	sshrl.u32 s15, $0x3;
	s12 =	rddreg [dreg:$0x8];
	[sflag:s30] =	ssyncadd.s32 $0xFFFFC000  }
0x38: {  	[hbm:s12], [sflag:s10] =	dma.local [spmem:s11], $0x800  }
0x39: {  	[tilespmem:s21], [sflag:$0x2] =	stream.indirect.gather [hbm4b:s1+s19], $0x80, s13, s19, $0xb8;
	[tilespmem:$0x19C00] =	vst v63  }
0x3a: {  	_ =	swait.ge [sflag:s22], $0x4000  }
0x3b: {  	[sflag:s22] =	ssyncset.done $0x0  }
0x3c: {  	[sflag:s22] =	ssyncadd.s32 $0xFFFFC000  }
0x3d: {  	_ =	swait.ge [sflag:s2], $0x800  }
0x3e: {  	[sflag:s2] =	ssyncset.done $0x0  }
0x3f: {  	[sflag:s2] =	ssyncadd.s32 $0xFFFFF800  }
0x40: {  	[spmem:s8] =	stream.linear.scatter [tilespmem:s20], [sflag:$0x4], $0x4000, $0x38;
	[tilespmem:$0x19C00] =	vst v63  }
0x41: {  	_ =	swait.ge [sflag:s0], $0x4000  }
0x42: {  	s16 =	simm.s32 $0x280;
	s12 =	sshrl.u32 s31, $0x3;
	[sflag:s0] =	ssyncset.done $0x0  }
0x43: {  	s13 =	sor.u32 $0x1C09, s7;
	s9 =	rddreg [dreg:$0xe];
	[sflag:s0] =	ssyncadd.s32 $0xFFFFC000  }
0x44: {  	[hbm:s9], [sflag:s13] =	dma.local [spmem:s12], $0x800  }
0x45: {  	[tilespmem:s24], [sflag:$0x3] =	stream.indirect.gather [hbm4b:s1+s19], $0x80, s16, s19, $0xb8;
	[tilespmem:$0x19C00] =	vst v63  }
0x46: {  	_ =	swait.ge [sflag:s25], $0x4000  }
0x47: {  	[sflag:s25] =	ssyncset.done $0x0  }
0x48: {  	[sflag:s25] =	ssyncadd.s32 $0xFFFFC000  }
0x49: {  	_ =	swait.ge [sflag:s23], $0x800  }
0x4a: {  	[sflag:s23] =	ssyncset.done $0x0  }
0x4b: {  	[sflag:s23] =	ssyncadd.s32 $0xFFFFF800  }
0x4c: {  	[spmem:s15] =	stream.linear.scatter [tilespmem:s21], [sflag:$0x5], $0x4000, $0x38;
	[tilespmem:$0x19C00] =	vst v63  }
0x4d: {  	_ =	swait.ge [sflag:s26], $0x4000  }
0x4e: {  	s17 =	rddreg [dreg:$0xf]  }
0x4f: {  	[sflag:s26] =	ssyncset.done $0x0;
	s18 =	sshrl.u32 s17, $0x3  }
0x50: {  	s3 =	simm.s32 $0x300;
	[sflag:s26] =	ssyncadd.s32 $0xFFFFC000;
	s7 =	sadd.s32 s14, s18  }
0x51: {  	[hbm:s7], [sflag:s4] =	dma.local [spmem:s5], $0x800  }
0x52: {  	[tilespmem:s20], [sflag:$0x1] =	stream.indirect.gather [hbm4b:s1+s19], $0x80, s3, s19, $0xb8;
	[tilespmem:$0x19C00] =	vst v63  }
0x53: {  	_ =	swait.ge [sflag:s29], $0x4000  }
0x54: {  	[sflag:s29] =	ssyncset.done $0x0  }
0x55: {  	[sflag:s29] =	ssyncadd.s32 $0xFFFFC000  }
0x56: {  	_ =	swait.ge [sflag:s28], $0x800  }
0x57: {  	[sflag:s28] =	ssyncset.done $0x0  }
0x58: {  	s6 =	smov.u32 s14;
	[sflag:s28] =	ssyncadd.s32 $0xFFFFF800  }
0x59: {  	[spmem:s31] =	stream.linear.scatter [tilespmem:s24], [sflag:$0x6], $0x4000, $0x38;
	[tilespmem:$0x19C00] =	vst v63  }
0x5a: {  	s14 =	simm.s32 $0x600;
	s18 =	sadd.s32 $0xC000, s17;
	_ =	swait.ge [sflag:s30], $0x4000  }
0x5b: {  	s17 =	simm.s32 $0x380;
	[sflag:s30] =	ssyncset.done $0x0;
	s16 =	rddreg [dreg:$0xd]  }
0x5c: {  	s7 =	sadd.s32 $0x1800, s9;
	[sflag:s30] =	ssyncadd.s32 $0xFFFFC000;
	s15 =	sadd.s32 $0x1800, s16  }
0x5d: {  	[hbm:s16], [sflag:s10] =	dma.local [spmem:s11], $0x800  }
.LBB2_2:
0x5e: {  	[tilespmem:s21], [sflag:$0x2] =	stream.indirect.gather [hbm4b:s1+s19], $0x80, s17, s19, $0xb8;
	[tilespmem:$0x19C00] =	vst v63  }
0x5f: {  	_ =	swait.ge [sflag:s22], $0x4000  }
0x60: {  	[sflag:s22] =	ssyncset.done $0x0  }
0x61: {  	[sflag:s22] =	ssyncadd.s32 $0xFFFFC000  }
0x62: {  	_ =	swait.ge [sflag:s2], $0x800  }
0x63: {  	[sflag:s2] =	ssyncset.done $0x0  }
0x64: {  	[sflag:s2] =	ssyncadd.s32 $0xFFFFF800  }
0x65: {  	[spmem:s8] =	stream.linear.scatter [tilespmem:s20], [sflag:$0x4], $0x4000, $0x38;
	[tilespmem:$0x19C00] =	vst v63  }
0x66: {  	s9 =	smov.u32 s14;
	_ =	swait.ge [sflag:s0], $0x4000  }
0x67: {  	s17 =	sshra.s32 s9, $0x2;
	[sflag:s0] =	ssyncset.done $0x0  }
0x68: {  	s9 =	smov.u32 s31;
	s31 =	sadd.s32 $0x280, s17;
	[sflag:s0] =	ssyncadd.s32 $0xFFFFC000  }
0x69: {  	[hbm:s7], [sflag:s13] =	dma.local [spmem:s12], $0x800  }
0x6a: {  	[tilespmem:s24], [sflag:$0x3] =	stream.indirect.gather [hbm4b:s1+s19], $0x80, s31, s19, $0xb8;
	[tilespmem:$0x19C00] =	vst v63  }
0x6b: {  	_ =	swait.ge [sflag:s25], $0x4000  }
0x6c: {  	[sflag:s25] =	ssyncset.done $0x0  }
0x6d: {  	[sflag:s25] =	ssyncadd.s32 $0xFFFFC000  }
0x6e: {  	_ =	swait.ge [sflag:s23], $0x800  }
0x6f: {  	[sflag:s23] =	ssyncset.done $0x0  }
0x70: {  	s3 =	rddreg [dreg:$0x5];
	[sflag:s23] =	ssyncadd.s32 $0xFFFFF800  }
0x71: {  	[spmem:s3] =	stream.linear.scatter [tilespmem:s21], [sflag:$0x5], $0x4000, $0x38;
	[tilespmem:$0x19C00] =	vst v63  }
0x72: {  	_ =	swait.ge [sflag:s26], $0x4000  }
0x73: {  	s31 =	sshrl.u32 s18, $0x3;
	[sflag:s26] =	ssyncset.done $0x0  }
0x74: {  	s31 =	sadd.s32 s6, s31;
	s3 =	sadd.s32 $0x300, s17;
	[sflag:s26] =	ssyncadd.s32 $0xFFFFC000  }
0x75: {  	[hbm:s31], [sflag:s4] =	dma.local [spmem:s5], $0x800  }
0x76: {  	[tilespmem:s20], [sflag:$0x1] =	stream.indirect.gather [hbm4b:s1+s19], $0x80, s3, s19, $0xb8;
	[tilespmem:$0x19C00] =	vst v63  }
0x77: {  	_ =	swait.ge [sflag:s29], $0x4000  }
0x78: {  	[sflag:s29] =	ssyncset.done $0x0  }
0x79: {  	[sflag:s29] =	ssyncadd.s32 $0xFFFFC000  }
0x7a: {  	_ =	swait.ge [sflag:s28], $0x800  }
0x7b: {  	[sflag:s28] =	ssyncset.done $0x0  }
0x7c: {  	p0 =	sne.s32 s14, $0x5400;
	[sflag:s28] =	ssyncadd.s32 $0xFFFFF800  }
0x7d: {  	[spmem:s9] =	stream.linear.scatter [tilespmem:s24], [sflag:$0x6], $0x4000, $0x38;
	[tilespmem:$0x19C00] =	vst v63  }
.Ltmp0:
0x7e: {  	s14 =	sadd.s32 $0x600, s14;
	(pc) =	sbr.rel @p0 .LBB2_2-.Ltmp0, $4  }
0x7f: {  	s16 =	smov.u32 s15;
	s15 =	sadd.s32 $0x1800, s15;
	_ =	swait.ge [sflag:s30], $0x4000  }
0x80: {  	s7 =	sadd.s32 $0x1800, s7;
	s18 =	sadd.s32 $0xC000, s18;
	[sflag:s30] =	ssyncset.done $0x0  }
0x81: {  	s17 =	sadd.s32 $0x380, s17;
	s31 =	smov.u32 s9;
	[sflag:s30] =	ssyncadd.s32 $0xFFFFC000  }
0x82: {  	[hbm:s16], [sflag:s10] =	dma.local [spmem:s11], $0x800  }
0x83: {  	[tilespmem:s21], [sflag:$0x2] =	stream.indirect.gather [hbm4b:s1+s19], $0x80, s17, s19, $0xb8;
	[tilespmem:$0x19C00] =	vst v63  }
0x84: {  	_ =	swait.ge [sflag:s22], $0x4000  }
0x85: {  	[sflag:s22] =	ssyncset.done $0x0  }
0x86: {  	[sflag:s22] =	ssyncadd.s32 $0xFFFFC000  }
0x87: {  	_ =	swait.ge [sflag:s2], $0x800  }
0x88: {  	[sflag:s2] =	ssyncset.done $0x0  }
0x89: {  	[sflag:s2] =	ssyncadd.s32 $0xFFFFF800  }
0x8a: {  	[spmem:s8] =	stream.linear.scatter [tilespmem:s20], [sflag:$0x4], $0x4000, $0x38;
	[tilespmem:$0x19C00] =	vst v63  }
0x8b: {  	_ =	swait.ge [sflag:s0], $0x4000  }
0x8c: {  	[sflag:s0] =	ssyncset.done $0x0  }
0x8d: {  	s3 =	rddreg [dreg:$0xa];
	[sflag:s0] =	ssyncadd.s32 $0xFFFFC000  }
0x8e: {  	[hbm:s3], [sflag:s13] =	dma.local [spmem:s12], $0x800  }
0x8f: {  	_ =	swait.ge [sflag:s25], $0x4000  }
0x90: {  	[sflag:s25] =	ssyncset.done $0x0  }
0x91: {  	[sflag:s25] =	ssyncadd.s32 $0xFFFFC000  }
0x92: {  	_ =	swait.ge [sflag:s23], $0x800  }
0x93: {  	[sflag:s23] =	ssyncset.done $0x0  }
0x94: {  	s14 =	rddreg [dreg:$0x5];
	[sflag:s23] =	ssyncadd.s32 $0xFFFFF800  }
0x95: {  	[spmem:s14] =	stream.linear.scatter [tilespmem:s21], [sflag:$0x5], $0x4000, $0x38;
	[tilespmem:$0x19C00] =	vst v63  }
0x96: {  	_ =	swait.ge [sflag:s26], $0x4000  }
0x97: {  	[sflag:s26] =	ssyncset.done $0x0  }
0x98: {  	s15 =	rddreg [dreg:$0x9];
	[sflag:s26] =	ssyncadd.s32 $0xFFFFC000  }
0x99: {  	[hbm:s15], [sflag:s4] =	dma.local [spmem:s5], $0x800  }
0x9a: {  	_ =	swait.ge [sflag:s30], $0x4000  }
0x9b: {  	[sflag:s30] =	ssyncset.done $0x0  }
0x9c: {  	s16 =	rddreg [dreg:$0xb];
	[sflag:s30] =	ssyncadd.s32 $0xFFFFC000  }
0x9d: {  	[hbm:s16], [sflag:s10] =	dma.local [spmem:s11], $0x800  }
0x9e: {  	_ =	swait.ge [sflag:s28], $0x800  }
0x9f: {  	[sflag:s28] =	ssyncset.done $0x0  }
0xa0: {  	[sflag:s28] =	ssyncadd.s32 $0xFFFFF800  }
0xa1: {  	_ =	swait.ge [sflag:s2], $0x800  }
0xa2: {  	[sflag:s2] =	ssyncset.done $0x0  }
0xa3: {  	[sflag:s2] =	ssyncadd.s32 $0xFFFFF800  }
0xa4: {  	_ =	swait.ge [sflag:s23], $0x800  }
0xa5: {  	s17 =	rddreg [dreg:$0x10]  }
0xa6: {  	s18 =	rddreg [dreg:$0xc];
	s4 =	sadd.s32 $0x1, s17  }
0xa7: {  	p0 =	sne.s32 s4, s18  }
.Ltmp1:
0xa8: {  	_ = 	snop;
	(pc) =	sbr.rel @p0 .LBB2_1-.Ltmp1, $3  }
0xa9: {  	_ =	sdelay $0x1  }
0xaa: {  	[sflag:s23] =	ssyncset.done $0x0  }
0xab: {  	s14 =	smov.u32 s6;
	[sflag:s23] =	ssyncadd.s32 $0xFFFFF800  }
0xac: {  	_ =	sfence.sel $0x180000  }
0xad: {  	[bflag:$0x0] =	sbarrier.arrive $0xFFFF  }
0xae: {  	_ =	strace $0x90000047  }
0xaf: {  	s0 =	stileid.u32;
	[bflag:$0x2] =	sbarrier.arrive $0xFFFF  }
0xb0: {  	p0 =	sne.s32 s0, $0x0;
	s0 =	rddreg [dreg:$0x4]  }
0xb1: {  	s0 =	sadd.s32 @!p0 $0x100000, s0  }
0xb2: {  	[sflag:s0] =	ssyncadd.tile.s32 @!p0 $0x1;
	_ =	shalt  }
.Lfunc_end2:
_tile_overlayer_lowered:
.L_overlay_start_2:
0xb3: {  	(tag) =	ssettag $0x2  }
0xb4: {  	s0 =	rddreg [dreg:$0x0];
	s2 =	stileid.u32  }
0xb5: {  	s1 =	rddreg [dreg:$0x1];
	p0 =	sne.s32 s2, $0x0  }
0xb6: {  	s3 =	rddreg [dreg:$0x2];
	[bflag:$0x3] =	sbarrier.arrive $0xFFFF;
	s2 =	simm.s32 @!p0 $0x1C0A  }
0xb7: {  	[timem:s3], [sflag:s2] =	dma.local @!p0 [hbm:s0], s1  }
0xb8: {  	s0 =	simm.s32 @!p0 $0xA  }
0xb9: {  	_ =	swait.ge @!p0 [sflag:s0], s1  }
0xba: {  	s1 =	ssub.s32 @!p0 $0x0, s1;
	[sflag:s0] =	ssyncset.done @!p0 $0x0  }
0xbb: {  	[sflag:s0] =	ssyncadd.s32 @!p0 s1  }
0xbc: {  	[bflag:$0x3] =	sbarrier.arrive $0xFFFF  }
0xbd: {  	_ =	shalt  }

</sc_bundles>
